<compile_context>
chip_gen: v7x
topology: tpu7x:2x2x1
jax: 0.10.2.dev20260603
libtpu: 0.0.44.dev20260713+nightly
codegen_flags: <defaults>
</compile_context>

<pallas_src>
import jax
import jax.numpy as jnp
from jax import lax
from jax.experimental import pallas as pl
from jax.experimental.pallas import tpu as pltpu
from jax.experimental.pallas import tpu_sc as plsc

B, S, V, D = 4, 2048, 100000, 1024
NT = B * S
NC, NS = 2, 16
NW = NC * NS
TOK_PER_W = NT // NW
CH = 32
NCHUNK = TOK_PER_W // CH

MIN_F32 = float(jnp.finfo(jnp.float32).min)
MASK_BLK = 512


NBUF = 3


def _gather_body(idx_hbm, table_hbm, out_hbm, idx_v, *rest):
    wid = lax.axis_index("s") * NC + lax.axis_index("c")
    base = wid * TOK_PER_W
    bufs = rest[:NBUF]
    gsems = rest[NBUF:2 * NBUF]
    ssems = rest[2 * NBUF:3 * NBUF]
    pltpu.sync_copy(idx_hbm.at[wid].at[pl.ds(0, 1)], idx_v.at[pl.ds(0, 1)])
    g = [None] * NBUF
    s = [None] * NBUF
    for c in range(NCHUNK):
        b = c % NBUF
        if s[b] is not None:
            s[b].wait()
            s[b] = None
        g[b] = pltpu.async_copy(table_hbm.at[idx_v.at[c]], bufs[b], gsems[b])
        if c == 0:
            pltpu.sync_copy(idx_hbm.at[wid].at[pl.ds(1, NCHUNK - 1)],
                            idx_v.at[pl.ds(1, NCHUNK - 1)])
        if c >= 1:
            pb = (c - 1) % NBUF
            g[pb].wait()
            s[pb] = pltpu.async_copy(
                bufs[pb], out_hbm.at[pl.ds(base + (c - 1) * CH, CH)], ssems[pb])
    lb = (NCHUNK - 1) % NBUF
    g[lb].wait()
    s[lb] = pltpu.async_copy(
        bufs[lb], out_hbm.at[pl.ds(base + (NCHUNK - 1) * CH, CH)], ssems[lb])
    for b in range(NBUF):
        if s[b] is not None:
            s[b].wait()


def _sc_gather(idx, table):
    mesh = plsc.VectorSubcoreMesh(core_axis_name="c", subcore_axis_name="s")
    k = pl.kernel(
        _gather_body,
        mesh=mesh,
        out_type=jax.ShapeDtypeStruct((NT, D), jnp.float32),
        cost_estimate=pl.CostEstimate(
            flops=0, transcendentals=0,
            bytes_accessed=2 * NT * D * 4 + NT * 4),
        scratch_types=(
            [pltpu.VMEM((NCHUNK, CH), jnp.int32)]
            + [pltpu.VMEM((CH, D), jnp.float32) for _ in range(NBUF)]
            + [pltpu.SemaphoreType.DMA for _ in range(2 * NBUF)]
        ),
    )
    return k(idx, table)


def _mask_body(am_ref, o_ref):
    r0 = pl.program_id(1) * MASK_BLK
    rows = lax.broadcasted_iota(jnp.int32, (MASK_BLK, S), 0) + r0
    cols = lax.broadcasted_iota(jnp.int32, (MASK_BLK, S), 1)
    inverted = jnp.where(am_ref[0, 0], 0.0, MIN_F32)
    o_ref[0, 0] = jnp.where(cols > rows, MIN_F32, inverted[None, :])


def _make_mask(attention_mask):
    am = attention_mask.reshape(B, 1, S)
    return pl.pallas_call(
        _mask_body,
        out_shape=jax.ShapeDtypeStruct((B, 1, S, S), jnp.float32),
        grid=(B, S // MASK_BLK),
        in_specs=[pl.BlockSpec((1, 1, S), lambda b, i: (b, 0, 0))],
        out_specs=pl.BlockSpec((1, 1, MASK_BLK, S), lambda b, i: (b, 0, i, 0)),
        cost_estimate=pl.CostEstimate(
            flops=2 * B * S * S, transcendentals=0,
            bytes_accessed=B * S * S * 4),
    )(am)


def kernel(input_ids, attention_mask, position_ids, labels, W):
    idx = input_ids.reshape(NW, NCHUNK, CH)
    hidden = _sc_gather(idx, W).reshape(B, S, D)
    mask = _make_mask(attention_mask)
    return (hidden, mask, position_ids, labels)

# --- scband reference (transcript-rebuilt; emitter-appended) ---
"""Pipeline reference for scband-embedding-pipe-10574209483253 (READ-ONLY COPY).

The authoritative reference and input builder live on the scoring server;
editing this copy changes nothing except your own understanding.
"""

import jax, jax.numpy as jnp
import numpy as np

B, S, V, D = 4, 2048, 100000, 1024


def _prepare_decoder_attention_mask(attention_mask, input_shape, dtype):
    # Faithful to HF Llama-style mask prep: causal additive mask combined with
    # the inverted padding mask (0 -> large negative, 1 -> 0).
    bsz, tgt_len = input_shape
    min_val = jnp.finfo(dtype).min
    causal = jnp.full((tgt_len, tgt_len), min_val, dtype=dtype)
    causal = jnp.triu(causal, k=1)
    causal = jnp.broadcast_to(causal[None, None, :, :], (bsz, 1, tgt_len, tgt_len))
    expanded = attention_mask[:, None, None, :].astype(dtype)
    inverted = (1.0 - expanded) * min_val
    combined = jnp.maximum(causal + inverted, min_val)
    return combined


def setup_inputs(seed: int = 0) -> dict:
    key = jax.random.key(seed)
    k1, k2, k3 = jax.random.split(key, 3)
    input_ids = jax.random.randint(k1, (B, S), 0, V, dtype=jnp.int32)
    attention_mask = jnp.ones((B, S), dtype=jnp.bool_)
    position_ids = jnp.broadcast_to(jnp.arange(S, dtype=jnp.int32)[None, :], (B, S))
    labels = jax.random.randint(k2, (B, S), 0, V, dtype=jnp.int32)
    # learned embedding table (orig = nn.Embedding(V, D))
    W = jax.random.normal(k3, (V, D), dtype=jnp.float32) * 0.02
    return {"input_ids": input_ids, "attention_mask": attention_mask, "position_ids": position_ids, "labels": labels, "W": W}


def reference(input_ids, attention_mask, position_ids, labels, W):
    # inputs_embeds = self.orig(input_ids)
    inputs_embeds = jnp.take(W, input_ids, axis=0)
    bsz, seq_len = input_ids.shape
    attn_mask_4d = _prepare_decoder_attention_mask(attention_mask, (bsz, seq_len), inputs_embeds.dtype)
    # hidden_states = self.orig(input_ids)  (second lookup in the torch code)
    hidden_states = jnp.take(W, input_ids, axis=0)
    return (hidden_states, attn_mask_4d, position_ids, labels)

if __name__ == "__main__":
    import jax
    _d = setup_inputs()
    print(jax.jit(kernel)(*tuple(_d.values())))

</pallas_src>

<mosaic_0001>
#map = affine_map<(d0, d1) -> (0, 0, 0)>
#map1 = affine_map<(d0, d1) -> (0, 0)>
module attributes {stable_mosaic.version = 14 : i64} {
  func.func @_gather_body(%arg0: i32, %arg1: i32, %arg2: memref<32x8x32xi32, #tpu.memory_space<hbm>>, %arg3: memref<100000x1024xf32, #tpu.memory_space<hbm>>, %arg4: memref<8192x1024xf32, #tpu.memory_space<hbm>>, %arg5: memref<8x32xi32, #tpu.memory_space<vmem>>, %arg6: memref<32x1024xf32, #tpu.memory_space<vmem>>, %arg7: memref<32x1024xf32, #tpu.memory_space<vmem>>, %arg8: memref<32x1024xf32, #tpu.memory_space<vmem>>, %arg9: memref<!tpu.dma_semaphore, #tpu.memory_space<semaphore_mem>>, %arg10: memref<!tpu.dma_semaphore, #tpu.memory_space<semaphore_mem>>, %arg11: memref<!tpu.dma_semaphore, #tpu.memory_space<semaphore_mem>>, %arg12: memref<!tpu.dma_semaphore, #tpu.memory_space<semaphore_mem>>, %arg13: memref<!tpu.dma_semaphore, #tpu.memory_space<semaphore_mem>>, %arg14: memref<!tpu.dma_semaphore, #tpu.memory_space<semaphore_mem>>) attributes {dimension_semantics = [#tpu.dimension_semantics<core_parallel>, #tpu.dimension_semantics<subcore_parallel>], iteration_bounds = array<i64: 2, 16>, scalar_prefetch = 0 : i64, scratch_operands = 10 : i64, tpu.core_type = #tpu.core_type<sc_vector_subcore>, window_params = [{transform_indices = #map}, {transform_indices = #map1}, {transform_indices = #map1}]} {
    %mul3A = arith.constant 2 : i32
    %mul3A_0 = arith.muli %arg1, %mul3A : i32
    %add3A = arith.addi %mul3A_0, %arg0 : i32
    %mul3A_1 = arith.constant 256 : i32
    %mul3A_2 = arith.muli %add3A, %mul3A_1 : i32
    "tpu.region"() ({
      %run_scoped3A = tpu.sem_alloc : memref<!tpu.dma_semaphore, #tpu.memory_space<semaphore_mem>>
      %dma_start3A_193 = arith.constant 0 : i32
      %dma_start3A_194 = arith.constant 0 : i32
      %dma_start3A_195 = tpu.memref_slice %arg5[%dma_start3A_193, %dma_start3A_194] : memref<8x32xi32, #tpu.memory_space<vmem>> -> memref<1x32xi32, #tpu.memory_space<vmem>>
      %dma_start3A_196 = arith.constant 0 : i32
      %dma_start3A_197 = arith.constant 0 : i32
      %dma_start3A_198 = tpu.memref_slice %arg2[%add3A, %dma_start3A_196, %dma_start3A_197] : memref<32x8x32xi32, #tpu.memory_space<hbm>> -> memref<1x8x32xi32, #tpu.memory_space<hbm>>
      %dma_start3A_199 = tpu.memref_squeeze %dma_start3A_198 : memref<1x8x32xi32, #tpu.memory_space<hbm>> -> memref<8x32xi32, #tpu.memory_space<hbm>>
      %dma_start3A_200 = arith.constant 0 : i32
      %dma_start3A_201 = arith.constant 0 : i32
      %dma_start3A_202 = tpu.memref_slice %dma_start3A_199[%dma_start3A_200, %dma_start3A_201] : memref<8x32xi32, #tpu.memory_space<hbm>> -> memref<1x32xi32, #tpu.memory_space<hbm>>
      %dma_start3A_203 = arith.constant 0 : i32
      %dma_start3A_204 = arith.constant 0 : i32
      %dma_start3A_205 = tpu.memref_slice %arg5[%dma_start3A_203, %dma_start3A_204] : memref<8x32xi32, #tpu.memory_space<vmem>> -> memref<1x32xi32, #tpu.memory_space<vmem>>
      %dma_start3A_206 = arith.constant 0 : i32
      %dma_start3A_207 = arith.constant 0 : i32
      %dma_start3A_208 = tpu.memref_slice %arg2[%add3A, %dma_start3A_206, %dma_start3A_207] : memref<32x8x32xi32, #tpu.memory_space<hbm>> -> memref<1x8x32xi32, #tpu.memory_space<hbm>>
      %dma_start3A_209 = tpu.memref_squeeze %dma_start3A_208 : memref<1x8x32xi32, #tpu.memory_space<hbm>> -> memref<8x32xi32, #tpu.memory_space<hbm>>
      %dma_start3A_210 = arith.constant 0 : i32
      %dma_start3A_211 = arith.constant 0 : i32
      %dma_start3A_212 = tpu.memref_slice %dma_start3A_209[%dma_start3A_210, %dma_start3A_211] : memref<8x32xi32, #tpu.memory_space<hbm>> -> memref<1x32xi32, #tpu.memory_space<hbm>>
      tpu.enqueue_dma source(%dma_start3A_212 : memref<1x32xi32, #tpu.memory_space<hbm>>) target(%dma_start3A_205 : memref<1x32xi32, #tpu.memory_space<vmem>>) target_semaphore(%run_scoped3A : memref<!tpu.dma_semaphore, #tpu.memory_space<semaphore_mem>>)
      %dma_wait3A_213 = arith.constant 0 : i32
      %dma_wait3A_214 = arith.constant 0 : i32
      %dma_wait3A_215 = tpu.memref_slice %arg5[%dma_wait3A_213, %dma_wait3A_214] : memref<8x32xi32, #tpu.memory_space<vmem>> -> memref<1x32xi32, #tpu.memory_space<vmem>>
      %dma_wait3A_216 = arith.constant 0 : i32
      %dma_wait3A_217 = arith.constant 0 : i32
      %dma_wait3A_218 = tpu.memref_slice %arg2[%add3A, %dma_wait3A_216, %dma_wait3A_217] : memref<32x8x32xi32, #tpu.memory_space<hbm>> -> memref<1x8x32xi32, #tpu.memory_space<hbm>>
      %dma_wait3A_219 = tpu.memref_squeeze %dma_wait3A_218 : memref<1x8x32xi32, #tpu.memory_space<hbm>> -> memref<8x32xi32, #tpu.memory_space<hbm>>
      %dma_wait3A_220 = arith.constant 0 : i32
      %dma_wait3A_221 = arith.constant 0 : i32
      %dma_wait3A_222 = tpu.memref_slice %dma_wait3A_219[%dma_wait3A_220, %dma_wait3A_221] : memref<8x32xi32, #tpu.memory_space<hbm>> -> memref<1x32xi32, #tpu.memory_space<hbm>>
      %dma_wait3A_223 = arith.constant 0 : i32
      %dma_wait3A_224 = arith.constant 0 : i32
      %dma_wait3A_225 = tpu.memref_slice %arg5[%dma_wait3A_223, %dma_wait3A_224] : memref<8x32xi32, #tpu.memory_space<vmem>> -> memref<1x32xi32, #tpu.memory_space<vmem>>
      %dma_wait3A_226 = arith.constant 0 : i32
      %dma_wait3A_227 = arith.constant 0 : i32
      %dma_wait3A_228 = tpu.memref_slice %arg2[%add3A, %dma_wait3A_226, %dma_wait3A_227] : memref<32x8x32xi32, #tpu.memory_space<hbm>> -> memref<1x8x32xi32, #tpu.memory_space<hbm>>
      %dma_wait3A_229 = tpu.memref_squeeze %dma_wait3A_228 : memref<1x8x32xi32, #tpu.memory_space<hbm>> -> memref<8x32xi32, #tpu.memory_space<hbm>>
      %dma_wait3A_230 = arith.constant 0 : i32
      %dma_wait3A_231 = arith.constant 0 : i32
      %dma_wait3A_232 = tpu.memref_slice %dma_wait3A_229[%dma_wait3A_230, %dma_wait3A_231] : memref<8x32xi32, #tpu.memory_space<hbm>> -> memref<1x32xi32, #tpu.memory_space<hbm>>
      tpu.wait_dma2 semaphore(%run_scoped3A : memref<!tpu.dma_semaphore, #tpu.memory_space<semaphore_mem>>) src(%dma_wait3A_232 : memref<1x32xi32, #tpu.memory_space<hbm>>) dst(%dma_wait3A_225 : memref<1x32xi32, #tpu.memory_space<vmem>>)
      tpu.yield
    }) : () -> ()
    %dma_start3A = arith.constant 0 : i32
    %dma_start3A_3 = arith.constant 0 : i32
    %dma_start3A_4 = tpu.memref_slice %arg5[%dma_start3A, %dma_start3A_3] : memref<8x32xi32, #tpu.memory_space<vmem>> -> memref<1x32xi32, #tpu.memory_space<vmem>>
    %dma_start3A_5 = tpu.memref_squeeze %dma_start3A_4 : memref<1x32xi32, #tpu.memory_space<vmem>> -> memref<32xi32, #tpu.memory_space<vmem>>
    %dma_start3A_6 = arith.constant 0 : i32
    %dma_start3A_7 = arith.constant 0 : i32
    %dma_start3A_8 = tpu.memref_slice %arg3[%dma_start3A_6, %dma_start3A_7] : memref<100000x1024xf32, #tpu.memory_space<hbm>> -> memref<100000x1024xf32, #tpu.memory_space<hbm>>
    tpu.enqueue_indirect_dma source(%dma_start3A_8 : memref<100000x1024xf32, #tpu.memory_space<hbm>>) target(%arg6 : memref<32x1024xf32, #tpu.memory_space<vmem>>) offsets(%dma_start3A_5 : memref<32xi32, #tpu.memory_space<vmem>>) semaphore(%arg9 : memref<!tpu.dma_semaphore, #tpu.memory_space<semaphore_mem>>)
    "tpu.region"() ({
      %run_scoped3A = tpu.sem_alloc : memref<!tpu.dma_semaphore, #tpu.memory_space<semaphore_mem>>
      %dma_start3A_193 = arith.constant 1 : i32
      %dma_start3A_194 = arith.constant 0 : i32
      %dma_start3A_195 = tpu.memref_slice %arg5[%dma_start3A_193, %dma_start3A_194] : memref<8x32xi32, #tpu.memory_space<vmem>> -> memref<7x32xi32, #tpu.memory_space<vmem>>
      %dma_start3A_196 = arith.constant 0 : i32
      %dma_start3A_197 = arith.constant 0 : i32
      %dma_start3A_198 = tpu.memref_slice %arg2[%add3A, %dma_start3A_196, %dma_start3A_197] : memref<32x8x32xi32, #tpu.memory_space<hbm>> -> memref<1x8x32xi32, #tpu.memory_space<hbm>>
      %dma_start3A_199 = tpu.memref_squeeze %dma_start3A_198 : memref<1x8x32xi32, #tpu.memory_space<hbm>> -> memref<8x32xi32, #tpu.memory_space<hbm>>
      %dma_start3A_200 = arith.constant 1 : i32
      %dma_start3A_201 = arith.constant 0 : i32
      %dma_start3A_202 = tpu.memref_slice %dma_start3A_199[%dma_start3A_200, %dma_start3A_201] : memref<8x32xi32, #tpu.memory_space<hbm>> -> memref<7x32xi32, #tpu.memory_space<hbm>>
      %dma_start3A_203 = arith.constant 1 : i32
      %dma_start3A_204 = arith.constant 0 : i32
      %dma_start3A_205 = tpu.memref_slice %arg5[%dma_start3A_203, %dma_start3A_204] : memref<8x32xi32, #tpu.memory_space<vmem>> -> memref<7x32xi32, #tpu.memory_space<vmem>>
      %dma_start3A_206 = arith.constant 0 : i32
      %dma_start3A_207 = arith.constant 0 : i32
      %dma_start3A_208 = tpu.memref_slice %arg2[%add3A, %dma_start3A_206, %dma_start3A_207] : memref<32x8x32xi32, #tpu.memory_space<hbm>> -> memref<1x8x32xi32, #tpu.memory_space<hbm>>
      %dma_start3A_209 = tpu.memref_squeeze %dma_start3A_208 : memref<1x8x32xi32, #tpu.memory_space<hbm>> -> memref<8x32xi32, #tpu.memory_space<hbm>>
      %dma_start3A_210 = arith.constant 1 : i32
      %dma_start3A_211 = arith.constant 0 : i32
      %dma_start3A_212 = tpu.memref_slice %dma_start3A_209[%dma_start3A_210, %dma_start3A_211] : memref<8x32xi32, #tpu.memory_space<hbm>> -> memref<7x32xi32, #tpu.memory_space<hbm>>
      tpu.enqueue_dma source(%dma_start3A_212 : memref<7x32xi32, #tpu.memory_space<hbm>>) target(%dma_start3A_205 : memref<7x32xi32, #tpu.memory_space<vmem>>) target_semaphore(%run_scoped3A : memref<!tpu.dma_semaphore, #tpu.memory_space<semaphore_mem>>)
      %dma_wait3A_213 = arith.constant 1 : i32
      %dma_wait3A_214 = arith.constant 0 : i32
      %dma_wait3A_215 = tpu.memref_slice %arg5[%dma_wait3A_213, %dma_wait3A_214] : memref<8x32xi32, #tpu.memory_space<vmem>> -> memref<7x32xi32, #tpu.memory_space<vmem>>
      %dma_wait3A_216 = arith.constant 0 : i32
      %dma_wait3A_217 = arith.constant 0 : i32
      %dma_wait3A_218 = tpu.memref_slice %arg2[%add3A, %dma_wait3A_216, %dma_wait3A_217] : memref<32x8x32xi32, #tpu.memory_space<hbm>> -> memref<1x8x32xi32, #tpu.memory_space<hbm>>
      %dma_wait3A_219 = tpu.memref_squeeze %dma_wait3A_218 : memref<1x8x32xi32, #tpu.memory_space<hbm>> -> memref<8x32xi32, #tpu.memory_space<hbm>>
      %dma_wait3A_220 = arith.constant 1 : i32
      %dma_wait3A_221 = arith.constant 0 : i32
      %dma_wait3A_222 = tpu.memref_slice %dma_wait3A_219[%dma_wait3A_220, %dma_wait3A_221] : memref<8x32xi32, #tpu.memory_space<hbm>> -> memref<7x32xi32, #tpu.memory_space<hbm>>
      %dma_wait3A_223 = arith.constant 1 : i32
      %dma_wait3A_224 = arith.constant 0 : i32
      %dma_wait3A_225 = tpu.memref_slice %arg5[%dma_wait3A_223, %dma_wait3A_224] : memref<8x32xi32, #tpu.memory_space<vmem>> -> memref<7x32xi32, #tpu.memory_space<vmem>>
      %dma_wait3A_226 = arith.constant 0 : i32
      %dma_wait3A_227 = arith.constant 0 : i32
      %dma_wait3A_228 = tpu.memref_slice %arg2[%add3A, %dma_wait3A_226, %dma_wait3A_227] : memref<32x8x32xi32, #tpu.memory_space<hbm>> -> memref<1x8x32xi32, #tpu.memory_space<hbm>>
      %dma_wait3A_229 = tpu.memref_squeeze %dma_wait3A_228 : memref<1x8x32xi32, #tpu.memory_space<hbm>> -> memref<8x32xi32, #tpu.memory_space<hbm>>
      %dma_wait3A_230 = arith.constant 1 : i32
      %dma_wait3A_231 = arith.constant 0 : i32
      %dma_wait3A_232 = tpu.memref_slice %dma_wait3A_229[%dma_wait3A_230, %dma_wait3A_231] : memref<8x32xi32, #tpu.memory_space<hbm>> -> memref<7x32xi32, #tpu.memory_space<hbm>>
      tpu.wait_dma2 semaphore(%run_scoped3A : memref<!tpu.dma_semaphore, #tpu.memory_space<semaphore_mem>>) src(%dma_wait3A_232 : memref<7x32xi32, #tpu.memory_space<hbm>>) dst(%dma_wait3A_225 : memref<7x32xi32, #tpu.memory_space<vmem>>)
      tpu.yield
    }) : () -> ()
    %dma_start3A_9 = arith.constant 1 : i32
    %dma_start3A_10 = arith.constant 0 : i32
    %dma_start3A_11 = tpu.memref_slice %arg5[%dma_start3A_9, %dma_start3A_10] : memref<8x32xi32, #tpu.memory_space<vmem>> -> memref<1x32xi32, #tpu.memory_space<vmem>>
    %dma_start3A_12 = tpu.memref_squeeze %dma_start3A_11 : memref<1x32xi32, #tpu.memory_space<vmem>> -> memref<32xi32, #tpu.memory_space<vmem>>
    %dma_start3A_13 = arith.constant 0 : i32
    %dma_start3A_14 = arith.constant 0 : i32
    %dma_start3A_15 = tpu.memref_slice %arg3[%dma_start3A_13, %dma_start3A_14] : memref<100000x1024xf32, #tpu.memory_space<hbm>> -> memref<100000x1024xf32, #tpu.memory_space<hbm>>
    tpu.enqueue_indirect_dma source(%dma_start3A_15 : memref<100000x1024xf32, #tpu.memory_space<hbm>>) target(%arg7 : memref<32x1024xf32, #tpu.memory_space<vmem>>) offsets(%dma_start3A_12 : memref<32xi32, #tpu.memory_space<vmem>>) semaphore(%arg10 : memref<!tpu.dma_semaphore, #tpu.memory_space<semaphore_mem>>)
    %dma_wait3A = arith.constant 0 : i32
    %dma_wait3A_16 = arith.constant 0 : i32
    %dma_wait3A_17 = tpu.memref_slice %arg5[%dma_wait3A, %dma_wait3A_16] : memref<8x32xi32, #tpu.memory_space<vmem>> -> memref<1x32xi32, #tpu.memory_space<vmem>>
    %dma_wait3A_18 = tpu.memref_squeeze %dma_wait3A_17 : memref<1x32xi32, #tpu.memory_space<vmem>> -> memref<32xi32, #tpu.memory_space<vmem>>
    %dma_wait3A_19 = arith.constant 0 : i32
    %dma_wait3A_20 = arith.constant 0 : i32
    %dma_wait3A_21 = tpu.memref_slice %arg3[%dma_wait3A_19, %dma_wait3A_20] : memref<100000x1024xf32, #tpu.memory_space<hbm>> -> memref<100000x1024xf32, #tpu.memory_space<hbm>>
    tpu.wait_indirect_dma semaphore(%arg9 : memref<!tpu.dma_semaphore, #tpu.memory_space<semaphore_mem>>) src(%dma_wait3A_21 : memref<100000x1024xf32, #tpu.memory_space<hbm>>) dst(%arg6 : memref<32x1024xf32, #tpu.memory_space<vmem>>)
    %add3A_22 = arith.constant 0 : i32
    %add3A_23 = arith.addi %mul3A_2, %add3A_22 : i32
    %dma_start3A_24 = arith.constant 0 : i32
    %dma_start3A_25 = tpu.memref_slice %arg4[%add3A_23, %dma_start3A_24] : memref<8192x1024xf32, #tpu.memory_space<hbm>> -> memref<32x1024xf32, #tpu.memory_space<hbm>>
    %dma_start3A_26 = arith.constant 0 : i32
    %dma_start3A_27 = tpu.memref_slice %arg4[%add3A_23, %dma_start3A_26] : memref<8192x1024xf32, #tpu.memory_space<hbm>> -> memref<32x1024xf32, #tpu.memory_space<hbm>>
    tpu.enqueue_dma source(%arg6 : memref<32x1024xf32, #tpu.memory_space<vmem>>) target(%dma_start3A_27 : memref<32x1024xf32, #tpu.memory_space<hbm>>) target_semaphore(%arg12 : memref<!tpu.dma_semaphore, #tpu.memory_space<semaphore_mem>>)
    %dma_start3A_28 = arith.constant 2 : i32
    %dma_start3A_29 = arith.constant 0 : i32
    %dma_start3A_30 = tpu.memref_slice %arg5[%dma_start3A_28, %dma_start3A_29] : memref<8x32xi32, #tpu.memory_space<vmem>> -> memref<1x32xi32, #tpu.memory_space<vmem>>
    %dma_start3A_31 = tpu.memref_squeeze %dma_start3A_30 : memref<1x32xi32, #tpu.memory_space<vmem>> -> memref<32xi32, #tpu.memory_space<vmem>>
    %dma_start3A_32 = arith.constant 0 : i32
    %dma_start3A_33 = arith.constant 0 : i32
    %dma_start3A_34 = tpu.memref_slice %arg3[%dma_start3A_32, %dma_start3A_33] : memref<100000x1024xf32, #tpu.memory_space<hbm>> -> memref<100000x1024xf32, #tpu.memory_space<hbm>>
    tpu.enqueue_indirect_dma source(%dma_start3A_34 : memref<100000x1024xf32, #tpu.memory_space<hbm>>) target(%arg8 : memref<32x1024xf32, #tpu.memory_space<vmem>>) offsets(%dma_start3A_31 : memref<32xi32, #tpu.memory_space<vmem>>) semaphore(%arg11 : memref<!tpu.dma_semaphore, #tpu.memory_space<semaphore_mem>>)
    %dma_wait3A_35 = arith.constant 1 : i32
    %dma_wait3A_36 = arith.constant 0 : i32
    %dma_wait3A_37 = tpu.memref_slice %arg5[%dma_wait3A_35, %dma_wait3A_36] : memref<8x32xi32, #tpu.memory_space<vmem>> -> memref<1x32xi32, #tpu.memory_space<vmem>>
    %dma_wait3A_38 = tpu.memref_squeeze %dma_wait3A_37 : memref<1x32xi32, #tpu.memory_space<vmem>> -> memref<32xi32, #tpu.memory_space<vmem>>
    %dma_wait3A_39 = arith.constant 0 : i32
    %dma_wait3A_40 = arith.constant 0 : i32
    %dma_wait3A_41 = tpu.memref_slice %arg3[%dma_wait3A_39, %dma_wait3A_40] : memref<100000x1024xf32, #tpu.memory_space<hbm>> -> memref<100000x1024xf32, #tpu.memory_space<hbm>>
    tpu.wait_indirect_dma semaphore(%arg10 : memref<!tpu.dma_semaphore, #tpu.memory_space<semaphore_mem>>) src(%dma_wait3A_41 : memref<100000x1024xf32, #tpu.memory_space<hbm>>) dst(%arg7 : memref<32x1024xf32, #tpu.memory_space<vmem>>)
    %add3A_42 = arith.constant 32 : i32
    %add3A_43 = arith.addi %mul3A_2, %add3A_42 : i32
    %dma_start3A_44 = arith.constant 0 : i32
    %dma_start3A_45 = tpu.memref_slice %arg4[%add3A_43, %dma_start3A_44] : memref<8192x1024xf32, #tpu.memory_space<hbm>> -> memref<32x1024xf32, #tpu.memory_space<hbm>>
    %dma_start3A_46 = arith.constant 0 : i32
    %dma_start3A_47 = tpu.memref_slice %arg4[%add3A_43, %dma_start3A_46] : memref<8192x1024xf32, #tpu.memory_space<hbm>> -> memref<32x1024xf32, #tpu.memory_space<hbm>>
    tpu.enqueue_dma source(%arg7 : memref<32x1024xf32, #tpu.memory_space<vmem>>) target(%dma_start3A_47 : memref<32x1024xf32, #tpu.memory_space<hbm>>) target_semaphore(%arg13 : memref<!tpu.dma_semaphore, #tpu.memory_space<semaphore_mem>>)
    %dma_wait3A_48 = arith.constant 0 : i32
    %dma_wait3A_49 = tpu.memref_slice %arg4[%add3A_23, %dma_wait3A_48] : memref<8192x1024xf32, #tpu.memory_space<hbm>> -> memref<32x1024xf32, #tpu.memory_space<hbm>>
    %dma_wait3A_50 = arith.constant 0 : i32
    %dma_wait3A_51 = tpu.memref_slice %arg4[%add3A_23, %dma_wait3A_50] : memref<8192x1024xf32, #tpu.memory_space<hbm>> -> memref<32x1024xf32, #tpu.memory_space<hbm>>
    tpu.wait_dma2 semaphore(%arg12 : memref<!tpu.dma_semaphore, #tpu.memory_space<semaphore_mem>>) src(%arg6 : memref<32x1024xf32, #tpu.memory_space<vmem>>) dst(%dma_wait3A_51 : memref<32x1024xf32, #tpu.memory_space<hbm>>)
    %dma_start3A_52 = arith.constant 3 : i32
    %dma_start3A_53 = arith.constant 0 : i32
    %dma_start3A_54 = tpu.memref_slice %arg5[%dma_start3A_52, %dma_start3A_53] : memref<8x32xi32, #tpu.memory_space<vmem>> -> memref<1x32xi32, #tpu.memory_space<vmem>>
    %dma_start3A_55 = tpu.memref_squeeze %dma_start3A_54 : memref<1x32xi32, #tpu.memory_space<vmem>> -> memref<32xi32, #tpu.memory_space<vmem>>
    %dma_start3A_56 = arith.constant 0 : i32
    %dma_start3A_57 = arith.constant 0 : i32
    %dma_start3A_58 = tpu.memref_slice %arg3[%dma_start3A_56, %dma_start3A_57] : memref<100000x1024xf32, #tpu.memory_space<hbm>> -> memref<100000x1024xf32, #tpu.memory_space<hbm>>
    tpu.enqueue_indirect_dma source(%dma_start3A_58 : memref<100000x1024xf32, #tpu.memory_space<hbm>>) target(%arg6 : memref<32x1024xf32, #tpu.memory_space<vmem>>) offsets(%dma_start3A_55 : memref<32xi32, #tpu.memory_space<vmem>>) semaphore(%arg9 : memref<!tpu.dma_semaphore, #tpu.memory_space<semaphore_mem>>)
    %dma_wait3A_59 = arith.constant 2 : i32
    %dma_wait3A_60 = arith.constant 0 : i32
    %dma_wait3A_61 = tpu.memref_slice %arg5[%dma_wait3A_59, %dma_wait3A_60] : memref<8x32xi32, #tpu.memory_space<vmem>> -> memref<1x32xi32, #tpu.memory_space<vmem>>
    %dma_wait3A_62 = tpu.memref_squeeze %dma_wait3A_61 : memref<1x32xi32, #tpu.memory_space<vmem>> -> memref<32xi32, #tpu.memory_space<vmem>>
    %dma_wait3A_63 = arith.constant 0 : i32
    %dma_wait3A_64 = arith.constant 0 : i32
    %dma_wait3A_65 = tpu.memref_slice %arg3[%dma_wait3A_63, %dma_wait3A_64] : memref<100000x1024xf32, #tpu.memory_space<hbm>> -> memref<100000x1024xf32, #tpu.memory_space<hbm>>
    tpu.wait_indirect_dma semaphore(%arg11 : memref<!tpu.dma_semaphore, #tpu.memory_space<semaphore_mem>>) src(%dma_wait3A_65 : memref<100000x1024xf32, #tpu.memory_space<hbm>>) dst(%arg8 : memref<32x1024xf32, #tpu.memory_space<vmem>>)
    %add3A_66 = arith.constant 64 : i32
    %add3A_67 = arith.addi %mul3A_2, %add3A_66 : i32
    %dma_start3A_68 = arith.constant 0 : i32
    %dma_start3A_69 = tpu.memref_slice %arg4[%add3A_67, %dma_start3A_68] : memref<8192x1024xf32, #tpu.memory_space<hbm>> -> memref<32x1024xf32, #tpu.memory_space<hbm>>
    %dma_start3A_70 = arith.constant 0 : i32
    %dma_start3A_71 = tpu.memref_slice %arg4[%add3A_67, %dma_start3A_70] : memref<8192x1024xf32, #tpu.memory_space<hbm>> -> memref<32x1024xf32, #tpu.memory_space<hbm>>
    tpu.enqueue_dma source(%arg8 : memref<32x1024xf32, #tpu.memory_space<vmem>>) target(%dma_start3A_71 : memref<32x1024xf32, #tpu.memory_space<hbm>>) target_semaphore(%arg14 : memref<!tpu.dma_semaphore, #tpu.memory_space<semaphore_mem>>)
    %dma_wait3A_72 = arith.constant 0 : i32
    %dma_wait3A_73 = tpu.memref_slice %arg4[%add3A_43, %dma_wait3A_72] : memref<8192x1024xf32, #tpu.memory_space<hbm>> -> memref<32x1024xf32, #tpu.memory_space<hbm>>
    %dma_wait3A_74 = arith.constant 0 : i32
    %dma_wait3A_75 = tpu.memref_slice %arg4[%add3A_43, %dma_wait3A_74] : memref<8192x1024xf32, #tpu.memory_space<hbm>> -> memref<32x1024xf32, #tpu.memory_space<hbm>>
    tpu.wait_dma2 semaphore(%arg13 : memref<!tpu.dma_semaphore, #tpu.memory_space<semaphore_mem>>) src(%arg7 : memref<32x1024xf32, #tpu.memory_space<vmem>>) dst(%dma_wait3A_75 : memref<32x1024xf32, #tpu.memory_space<hbm>>)
    %dma_start3A_76 = arith.constant 4 : i32
    %dma_start3A_77 = arith.constant 0 : i32
    %dma_start3A_78 = tpu.memref_slice %arg5[%dma_start3A_76, %dma_start3A_77] : memref<8x32xi32, #tpu.memory_space<vmem>> -> memref<1x32xi32, #tpu.memory_space<vmem>>
    %dma_start3A_79 = tpu.memref_squeeze %dma_start3A_78 : memref<1x32xi32, #tpu.memory_space<vmem>> -> memref<32xi32, #tpu.memory_space<vmem>>
    %dma_start3A_80 = arith.constant 0 : i32
    %dma_start3A_81 = arith.constant 0 : i32
    %dma_start3A_82 = tpu.memref_slice %arg3[%dma_start3A_80, %dma_start3A_81] : memref<100000x1024xf32, #tpu.memory_space<hbm>> -> memref<100000x1024xf32, #tpu.memory_space<hbm>>
    tpu.enqueue_indirect_dma source(%dma_start3A_82 : memref<100000x1024xf32, #tpu.memory_space<hbm>>) target(%arg7 : memref<32x1024xf32, #tpu.memory_space<vmem>>) offsets(%dma_start3A_79 : memref<32xi32, #tpu.memory_space<vmem>>) semaphore(%arg10 : memref<!tpu.dma_semaphore, #tpu.memory_space<semaphore_mem>>)
    %dma_wait3A_83 = arith.constant 3 : i32
    %dma_wait3A_84 = arith.constant 0 : i32
    %dma_wait3A_85 = tpu.memref_slice %arg5[%dma_wait3A_83, %dma_wait3A_84] : memref<8x32xi32, #tpu.memory_space<vmem>> -> memref<1x32xi32, #tpu.memory_space<vmem>>
    %dma_wait3A_86 = tpu.memref_squeeze %dma_wait3A_85 : memref<1x32xi32, #tpu.memory_space<vmem>> -> memref<32xi32, #tpu.memory_space<vmem>>
    %dma_wait3A_87 = arith.constant 0 : i32
    %dma_wait3A_88 = arith.constant 0 : i32
    %dma_wait3A_89 = tpu.memref_slice %arg3[%dma_wait3A_87, %dma_wait3A_88] : memref<100000x1024xf32, #tpu.memory_space<hbm>> -> memref<100000x1024xf32, #tpu.memory_space<hbm>>
    tpu.wait_indirect_dma semaphore(%arg9 : memref<!tpu.dma_semaphore, #tpu.memory_space<semaphore_mem>>) src(%dma_wait3A_89 : memref<100000x1024xf32, #tpu.memory_space<hbm>>) dst(%arg6 : memref<32x1024xf32, #tpu.memory_space<vmem>>)
    %add3A_90 = arith.constant 96 : i32
    %add3A_91 = arith.addi %mul3A_2, %add3A_90 : i32
    %dma_start3A_92 = arith.constant 0 : i32
    %dma_start3A_93 = tpu.memref_slice %arg4[%add3A_91, %dma_start3A_92] : memref<8192x1024xf32, #tpu.memory_space<hbm>> -> memref<32x1024xf32, #tpu.memory_space<hbm>>
    %dma_start3A_94 = arith.constant 0 : i32
    %dma_start3A_95 = tpu.memref_slice %arg4[%add3A_91, %dma_start3A_94] : memref<8192x1024xf32, #tpu.memory_space<hbm>> -> memref<32x1024xf32, #tpu.memory_space<hbm>>
    tpu.enqueue_dma source(%arg6 : memref<32x1024xf32, #tpu.memory_space<vmem>>) target(%dma_start3A_95 : memref<32x1024xf32, #tpu.memory_space<hbm>>) target_semaphore(%arg12 : memref<!tpu.dma_semaphore, #tpu.memory_space<semaphore_mem>>)
    %dma_wait3A_96 = arith.constant 0 : i32
    %dma_wait3A_97 = tpu.memref_slice %arg4[%add3A_67, %dma_wait3A_96] : memref<8192x1024xf32, #tpu.memory_space<hbm>> -> memref<32x1024xf32, #tpu.memory_space<hbm>>
    %dma_wait3A_98 = arith.constant 0 : i32
    %dma_wait3A_99 = tpu.memref_slice %arg4[%add3A_67, %dma_wait3A_98] : memref<8192x1024xf32, #tpu.memory_space<hbm>> -> memref<32x1024xf32, #tpu.memory_space<hbm>>
    tpu.wait_dma2 semaphore(%arg14 : memref<!tpu.dma_semaphore, #tpu.memory_space<semaphore_mem>>) src(%arg8 : memref<32x1024xf32, #tpu.memory_space<vmem>>) dst(%dma_wait3A_99 : memref<32x1024xf32, #tpu.memory_space<hbm>>)
    %dma_start3A_100 = arith.constant 5 : i32
    %dma_start3A_101 = arith.constant 0 : i32
    %dma_start3A_102 = tpu.memref_slice %arg5[%dma_start3A_100, %dma_start3A_101] : memref<8x32xi32, #tpu.memory_space<vmem>> -> memref<1x32xi32, #tpu.memory_space<vmem>>
    %dma_start3A_103 = tpu.memref_squeeze %dma_start3A_102 : memref<1x32xi32, #tpu.memory_space<vmem>> -> memref<32xi32, #tpu.memory_space<vmem>>
    %dma_start3A_104 = arith.constant 0 : i32
    %dma_start3A_105 = arith.constant 0 : i32
    %dma_start3A_106 = tpu.memref_slice %arg3[%dma_start3A_104, %dma_start3A_105] : memref<100000x1024xf32, #tpu.memory_space<hbm>> -> memref<100000x1024xf32, #tpu.memory_space<hbm>>
    tpu.enqueue_indirect_dma source(%dma_start3A_106 : memref<100000x1024xf32, #tpu.memory_space<hbm>>) target(%arg8 : memref<32x1024xf32, #tpu.memory_space<vmem>>) offsets(%dma_start3A_103 : memref<32xi32, #tpu.memory_space<vmem>>) semaphore(%arg11 : memref<!tpu.dma_semaphore, #tpu.memory_space<semaphore_mem>>)
    %dma_wait3A_107 = arith.constant 4 : i32
    %dma_wait3A_108 = arith.constant 0 : i32
    %dma_wait3A_109 = tpu.memref_slice %arg5[%dma_wait3A_107, %dma_wait3A_108] : memref<8x32xi32, #tpu.memory_space<vmem>> -> memref<1x32xi32, #tpu.memory_space<vmem>>
    %dma_wait3A_110 = tpu.memref_squeeze %dma_wait3A_109 : memref<1x32xi32, #tpu.memory_space<vmem>> -> memref<32xi32, #tpu.memory_space<vmem>>
    %dma_wait3A_111 = arith.constant 0 : i32
    %dma_wait3A_112 = arith.constant 0 : i32
    %dma_wait3A_113 = tpu.memref_slice %arg3[%dma_wait3A_111, %dma_wait3A_112] : memref<100000x1024xf32, #tpu.memory_space<hbm>> -> memref<100000x1024xf32, #tpu.memory_space<hbm>>
    tpu.wait_indirect_dma semaphore(%arg10 : memref<!tpu.dma_semaphore, #tpu.memory_space<semaphore_mem>>) src(%dma_wait3A_113 : memref<100000x1024xf32, #tpu.memory_space<hbm>>) dst(%arg7 : memref<32x1024xf32, #tpu.memory_space<vmem>>)
    %add3A_114 = arith.constant 128 : i32
    %add3A_115 = arith.addi %mul3A_2, %add3A_114 : i32
    %dma_start3A_116 = arith.constant 0 : i32
    %dma_start3A_117 = tpu.memref_slice %arg4[%add3A_115, %dma_start3A_116] : memref<8192x1024xf32, #tpu.memory_space<hbm>> -> memref<32x1024xf32, #tpu.memory_space<hbm>>
    %dma_start3A_118 = arith.constant 0 : i32
    %dma_start3A_119 = tpu.memref_slice %arg4[%add3A_115, %dma_start3A_118] : memref<8192x1024xf32, #tpu.memory_space<hbm>> -> memref<32x1024xf32, #tpu.memory_space<hbm>>
    tpu.enqueue_dma source(%arg7 : memref<32x1024xf32, #tpu.memory_space<vmem>>) target(%dma_start3A_119 : memref<32x1024xf32, #tpu.memory_space<hbm>>) target_semaphore(%arg13 : memref<!tpu.dma_semaphore, #tpu.memory_space<semaphore_mem>>)
    %dma_wait3A_120 = arith.constant 0 : i32
    %dma_wait3A_121 = tpu.memref_slice %arg4[%add3A_91, %dma_wait3A_120] : memref<8192x1024xf32, #tpu.memory_space<hbm>> -> memref<32x1024xf32, #tpu.memory_space<hbm>>
    %dma_wait3A_122 = arith.constant 0 : i32
    %dma_wait3A_123 = tpu.memref_slice %arg4[%add3A_91, %dma_wait3A_122] : memref<8192x1024xf32, #tpu.memory_space<hbm>> -> memref<32x1024xf32, #tpu.memory_space<hbm>>
    tpu.wait_dma2 semaphore(%arg12 : memref<!tpu.dma_semaphore, #tpu.memory_space<semaphore_mem>>) src(%arg6 : memref<32x1024xf32, #tpu.memory_space<vmem>>) dst(%dma_wait3A_123 : memref<32x1024xf32, #tpu.memory_space<hbm>>)
    %dma_start3A_124 = arith.constant 6 : i32
    %dma_start3A_125 = arith.constant 0 : i32
    %dma_start3A_126 = tpu.memref_slice %arg5[%dma_start3A_124, %dma_start3A_125] : memref<8x32xi32, #tpu.memory_space<vmem>> -> memref<1x32xi32, #tpu.memory_space<vmem>>
    %dma_start3A_127 = tpu.memref_squeeze %dma_start3A_126 : memref<1x32xi32, #tpu.memory_space<vmem>> -> memref<32xi32, #tpu.memory_space<vmem>>
    %dma_start3A_128 = arith.constant 0 : i32
    %dma_start3A_129 = arith.constant 0 : i32
    %dma_start3A_130 = tpu.memref_slice %arg3[%dma_start3A_128, %dma_start3A_129] : memref<100000x1024xf32, #tpu.memory_space<hbm>> -> memref<100000x1024xf32, #tpu.memory_space<hbm>>
    tpu.enqueue_indirect_dma source(%dma_start3A_130 : memref<100000x1024xf32, #tpu.memory_space<hbm>>) target(%arg6 : memref<32x1024xf32, #tpu.memory_space<vmem>>) offsets(%dma_start3A_127 : memref<32xi32, #tpu.memory_space<vmem>>) semaphore(%arg9 : memref<!tpu.dma_semaphore, #tpu.memory_space<semaphore_mem>>)
    %dma_wait3A_131 = arith.constant 5 : i32
    %dma_wait3A_132 = arith.constant 0 : i32
    %dma_wait3A_133 = tpu.memref_slice %arg5[%dma_wait3A_131, %dma_wait3A_132] : memref<8x32xi32, #tpu.memory_space<vmem>> -> memref<1x32xi32, #tpu.memory_space<vmem>>
    %dma_wait3A_134 = tpu.memref_squeeze %dma_wait3A_133 : memref<1x32xi32, #tpu.memory_space<vmem>> -> memref<32xi32, #tpu.memory_space<vmem>>
    %dma_wait3A_135 = arith.constant 0 : i32
    %dma_wait3A_136 = arith.constant 0 : i32
    %dma_wait3A_137 = tpu.memref_slice %arg3[%dma_wait3A_135, %dma_wait3A_136] : memref<100000x1024xf32, #tpu.memory_space<hbm>> -> memref<100000x1024xf32, #tpu.memory_space<hbm>>
    tpu.wait_indirect_dma semaphore(%arg11 : memref<!tpu.dma_semaphore, #tpu.memory_space<semaphore_mem>>) src(%dma_wait3A_137 : memref<100000x1024xf32, #tpu.memory_space<hbm>>) dst(%arg8 : memref<32x1024xf32, #tpu.memory_space<vmem>>)
    %add3A_138 = arith.constant 160 : i32
    %add3A_139 = arith.addi %mul3A_2, %add3A_138 : i32
    %dma_start3A_140 = arith.constant 0 : i32
    %dma_start3A_141 = tpu.memref_slice %arg4[%add3A_139, %dma_start3A_140] : memref<8192x1024xf32, #tpu.memory_space<hbm>> -> memref<32x1024xf32, #tpu.memory_space<hbm>>
    %dma_start3A_142 = arith.constant 0 : i32
    %dma_start3A_143 = tpu.memref_slice %arg4[%add3A_139, %dma_start3A_142] : memref<8192x1024xf32, #tpu.memory_space<hbm>> -> memref<32x1024xf32, #tpu.memory_space<hbm>>
    tpu.enqueue_dma source(%arg8 : memref<32x1024xf32, #tpu.memory_space<vmem>>) target(%dma_start3A_143 : memref<32x1024xf32, #tpu.memory_space<hbm>>) target_semaphore(%arg14 : memref<!tpu.dma_semaphore, #tpu.memory_space<semaphore_mem>>)
    %dma_wait3A_144 = arith.constant 0 : i32
    %dma_wait3A_145 = tpu.memref_slice %arg4[%add3A_115, %dma_wait3A_144] : memref<8192x1024xf32, #tpu.memory_space<hbm>> -> memref<32x1024xf32, #tpu.memory_space<hbm>>
    %dma_wait3A_146 = arith.constant 0 : i32
    %dma_wait3A_147 = tpu.memref_slice %arg4[%add3A_115, %dma_wait3A_146] : memref<8192x1024xf32, #tpu.memory_space<hbm>> -> memref<32x1024xf32, #tpu.memory_space<hbm>>
    tpu.wait_dma2 semaphore(%arg13 : memref<!tpu.dma_semaphore, #tpu.memory_space<semaphore_mem>>) src(%arg7 : memref<32x1024xf32, #tpu.memory_space<vmem>>) dst(%dma_wait3A_147 : memref<32x1024xf32, #tpu.memory_space<hbm>>)
    %dma_start3A_148 = arith.constant 7 : i32
    %dma_start3A_149 = arith.constant 0 : i32
    %dma_start3A_150 = tpu.memref_slice %arg5[%dma_start3A_148, %dma_start3A_149] : memref<8x32xi32, #tpu.memory_space<vmem>> -> memref<1x32xi32, #tpu.memory_space<vmem>>
    %dma_start3A_151 = tpu.memref_squeeze %dma_start3A_150 : memref<1x32xi32, #tpu.memory_space<vmem>> -> memref<32xi32, #tpu.memory_space<vmem>>
    %dma_start3A_152 = arith.constant 0 : i32
    %dma_start3A_153 = arith.constant 0 : i32
    %dma_start3A_154 = tpu.memref_slice %arg3[%dma_start3A_152, %dma_start3A_153] : memref<100000x1024xf32, #tpu.memory_space<hbm>> -> memref<100000x1024xf32, #tpu.memory_space<hbm>>
    tpu.enqueue_indirect_dma source(%dma_start3A_154 : memref<100000x1024xf32, #tpu.memory_space<hbm>>) target(%arg7 : memref<32x1024xf32, #tpu.memory_space<vmem>>) offsets(%dma_start3A_151 : memref<32xi32, #tpu.memory_space<vmem>>) semaphore(%arg10 : memref<!tpu.dma_semaphore, #tpu.memory_space<semaphore_mem>>)
    %dma_wait3A_155 = arith.constant 6 : i32
    %dma_wait3A_156 = arith.constant 0 : i32
    %dma_wait3A_157 = tpu.memref_slice %arg5[%dma_wait3A_155, %dma_wait3A_156] : memref<8x32xi32, #tpu.memory_space<vmem>> -> memref<1x32xi32, #tpu.memory_space<vmem>>
    %dma_wait3A_158 = tpu.memref_squeeze %dma_wait3A_157 : memref<1x32xi32, #tpu.memory_space<vmem>> -> memref<32xi32, #tpu.memory_space<vmem>>
    %dma_wait3A_159 = arith.constant 0 : i32
    %dma_wait3A_160 = arith.constant 0 : i32
    %dma_wait3A_161 = tpu.memref_slice %arg3[%dma_wait3A_159, %dma_wait3A_160] : memref<100000x1024xf32, #tpu.memory_space<hbm>> -> memref<100000x1024xf32, #tpu.memory_space<hbm>>
    tpu.wait_indirect_dma semaphore(%arg9 : memref<!tpu.dma_semaphore, #tpu.memory_space<semaphore_mem>>) src(%dma_wait3A_161 : memref<100000x1024xf32, #tpu.memory_space<hbm>>) dst(%arg6 : memref<32x1024xf32, #tpu.memory_space<vmem>>)
    %add3A_162 = arith.constant 192 : i32
    %add3A_163 = arith.addi %mul3A_2, %add3A_162 : i32
    %dma_start3A_164 = arith.constant 0 : i32
    %dma_start3A_165 = tpu.memref_slice %arg4[%add3A_163, %dma_start3A_164] : memref<8192x1024xf32, #tpu.memory_space<hbm>> -> memref<32x1024xf32, #tpu.memory_space<hbm>>
    %dma_start3A_166 = arith.constant 0 : i32
    %dma_start3A_167 = tpu.memref_slice %arg4[%add3A_163, %dma_start3A_166] : memref<8192x1024xf32, #tpu.memory_space<hbm>> -> memref<32x1024xf32, #tpu.memory_space<hbm>>
    tpu.enqueue_dma source(%arg6 : memref<32x1024xf32, #tpu.memory_space<vmem>>) target(%dma_start3A_167 : memref<32x1024xf32, #tpu.memory_space<hbm>>) target_semaphore(%arg12 : memref<!tpu.dma_semaphore, #tpu.memory_space<semaphore_mem>>)
    %dma_wait3A_168 = arith.constant 7 : i32
    %dma_wait3A_169 = arith.constant 0 : i32
    %dma_wait3A_170 = tpu.memref_slice %arg5[%dma_wait3A_168, %dma_wait3A_169] : memref<8x32xi32, #tpu.memory_space<vmem>> -> memref<1x32xi32, #tpu.memory_space<vmem>>
    %dma_wait3A_171 = tpu.memref_squeeze %dma_wait3A_170 : memref<1x32xi32, #tpu.memory_space<vmem>> -> memref<32xi32, #tpu.memory_space<vmem>>
    %dma_wait3A_172 = arith.constant 0 : i32
    %dma_wait3A_173 = arith.constant 0 : i32
    %dma_wait3A_174 = tpu.memref_slice %arg3[%dma_wait3A_172, %dma_wait3A_173] : memref<100000x1024xf32, #tpu.memory_space<hbm>> -> memref<100000x1024xf32, #tpu.memory_space<hbm>>
    tpu.wait_indirect_dma semaphore(%arg10 : memref<!tpu.dma_semaphore, #tpu.memory_space<semaphore_mem>>) src(%dma_wait3A_174 : memref<100000x1024xf32, #tpu.memory_space<hbm>>) dst(%arg7 : memref<32x1024xf32, #tpu.memory_space<vmem>>)
    %add3A_175 = arith.constant 224 : i32
    %add3A_176 = arith.addi %mul3A_2, %add3A_175 : i32
    %dma_start3A_177 = arith.constant 0 : i32
    %dma_start3A_178 = tpu.memref_slice %arg4[%add3A_176, %dma_start3A_177] : memref<8192x1024xf32, #tpu.memory_space<hbm>> -> memref<32x1024xf32, #tpu.memory_space<hbm>>
    %dma_start3A_179 = arith.constant 0 : i32
    %dma_start3A_180 = tpu.memref_slice %arg4[%add3A_176, %dma_start3A_179] : memref<8192x1024xf32, #tpu.memory_space<hbm>> -> memref<32x1024xf32, #tpu.memory_space<hbm>>
    tpu.enqueue_dma source(%arg7 : memref<32x1024xf32, #tpu.memory_space<vmem>>) target(%dma_start3A_180 : memref<32x1024xf32, #tpu.memory_space<hbm>>) target_semaphore(%arg13 : memref<!tpu.dma_semaphore, #tpu.memory_space<semaphore_mem>>)
    %dma_wait3A_181 = arith.constant 0 : i32
    %dma_wait3A_182 = tpu.memref_slice %arg4[%add3A_163, %dma_wait3A_181] : memref<8192x1024xf32, #tpu.memory_space<hbm>> -> memref<32x1024xf32, #tpu.memory_space<hbm>>
    %dma_wait3A_183 = arith.constant 0 : i32
    %dma_wait3A_184 = tpu.memref_slice %arg4[%add3A_163, %dma_wait3A_183] : memref<8192x1024xf32, #tpu.memory_space<hbm>> -> memref<32x1024xf32, #tpu.memory_space<hbm>>
    tpu.wait_dma2 semaphore(%arg12 : memref<!tpu.dma_semaphore, #tpu.memory_space<semaphore_mem>>) src(%arg6 : memref<32x1024xf32, #tpu.memory_space<vmem>>) dst(%dma_wait3A_184 : memref<32x1024xf32, #tpu.memory_space<hbm>>)
    %dma_wait3A_185 = arith.constant 0 : i32
    %dma_wait3A_186 = tpu.memref_slice %arg4[%add3A_176, %dma_wait3A_185] : memref<8192x1024xf32, #tpu.memory_space<hbm>> -> memref<32x1024xf32, #tpu.memory_space<hbm>>
    %dma_wait3A_187 = arith.constant 0 : i32
    %dma_wait3A_188 = tpu.memref_slice %arg4[%add3A_176, %dma_wait3A_187] : memref<8192x1024xf32, #tpu.memory_space<hbm>> -> memref<32x1024xf32, #tpu.memory_space<hbm>>
    tpu.wait_dma2 semaphore(%arg13 : memref<!tpu.dma_semaphore, #tpu.memory_space<semaphore_mem>>) src(%arg7 : memref<32x1024xf32, #tpu.memory_space<vmem>>) dst(%dma_wait3A_188 : memref<32x1024xf32, #tpu.memory_space<hbm>>)
    %dma_wait3A_189 = arith.constant 0 : i32
    %dma_wait3A_190 = tpu.memref_slice %arg4[%add3A_139, %dma_wait3A_189] : memref<8192x1024xf32, #tpu.memory_space<hbm>> -> memref<32x1024xf32, #tpu.memory_space<hbm>>
    %dma_wait3A_191 = arith.constant 0 : i32
    %dma_wait3A_192 = tpu.memref_slice %arg4[%add3A_139, %dma_wait3A_191] : memref<8192x1024xf32, #tpu.memory_space<hbm>> -> memref<32x1024xf32, #tpu.memory_space<hbm>>
    tpu.wait_dma2 semaphore(%arg14 : memref<!tpu.dma_semaphore, #tpu.memory_space<semaphore_mem>>) src(%arg8 : memref<32x1024xf32, #tpu.memory_space<vmem>>) dst(%dma_wait3A_192 : memref<32x1024xf32, #tpu.memory_space<hbm>>)
    return
  }
}

module attributes {stable_mosaic.version = 14 : i64} {
  func.func @_mask_body(%arg0: i32, %arg1: i32, %arg2: memref<1x1x2048xi32, #tpu.memory_space<vmem>>, %arg3: memref<1x1x512x2048xf32, #tpu.memory_space<vmem>>) attributes {dimension_semantics = [#tpu.dimension_semantics<arbitrary>, #tpu.dimension_semantics<arbitrary>], iteration_bounds = array<i64: 4, 4>, scalar_prefetch = 0 : i64, scratch_operands = 0 : i64, tpu.core_type = #tpu.core_type<tc>, window_params = [{transform_indices = @transform_0, window_bounds = array<i64: 1, 1, 2048>}, {transform_indices = @transform_1, window_bounds = array<i64: 1, 1, 512, 2048>}]} {
    %mul3A = arith.constant 512 : i32
    %mul3A_0 = arith.muli %arg1, %mul3A : i32
    %iota3A = tpu.iota {dimensions = array<i32: 0>} : vector<512x2048xi32>
    %add3A = vector.broadcast %mul3A_0 : i32 to vector<512x2048xi32>
    %add3A_1 = arith.addi %iota3A, %add3A : vector<512x2048xi32>
    %iota3A_2 = tpu.iota {dimensions = array<i32: 1>} : vector<512x2048xi32>
    %get3A = arith.constant 0 : index
    %get3A_3 = arith.constant 0 : index
    %get3A_4 = arith.constant 0 : index
    %get3A_5 = vector.load %arg2[%get3A, %get3A_3, %get3A_4] : memref<1x1x2048xi32, #tpu.memory_space<vmem>>, vector<1x1x2048xi32>
    %get3A_6 = vector.shape_cast %get3A_5 : vector<1x1x2048xi32> to vector<2048xi32>
    %get3A_7 = arith.constant dense<0> : vector<2048xi32>
    %get3A_8 = arith.cmpi ne, %get3A_6, %get3A_7 : vector<2048xi32>
    %jit3A = arith.constant 0.000000e+00 : f32
    %jit3A_9 = arith.constant -3.40282347E+38 : f32
    %broadcast_in_dim3A = vector.broadcast %jit3A : f32 to vector<2048xf32>
    %broadcast_in_dim3A_10 = vector.broadcast %jit3A_9 : f32 to vector<2048xf32>
    %select_n3A = arith.select %get3A_8, %broadcast_in_dim3A, %broadcast_in_dim3A_10 : vector<2048xi1>, vector<2048xf32>
    %gt3A = arith.cmpi sgt, %iota3A_2, %add3A_1 : vector<512x2048xi32>
    %broadcast_in_dim3A_11 = vector.shape_cast %select_n3A : vector<2048xf32> to vector<1x2048xf32>
    %jit3A_12 = arith.constant -3.40282347E+38 : f32
    %broadcast_in_dim3A_13 = vector.broadcast %jit3A_12 : f32 to vector<512x2048xf32>
    %broadcast_in_dim3A_14 = vector.shape_cast %broadcast_in_dim3A_11 : vector<1x2048xf32> to vector<1x2048xf32>
    %broadcast_in_dim3A_15 = vector.broadcast %broadcast_in_dim3A_14 : vector<1x2048xf32> to vector<512x2048xf32>
    %select_n3A_16 = arith.select %gt3A, %broadcast_in_dim3A_13, %broadcast_in_dim3A_15 : vector<512x2048xi1>, vector<512x2048xf32>
    %swap3A = arith.constant 0 : index
    %swap3A_17 = arith.constant 0 : index
    %swap3A_18 = arith.constant 0 : index
    %swap3A_19 = arith.constant 0 : index
    %swap3A_20 = vector.load %arg3[%swap3A, %swap3A_17, %swap3A_18, %swap3A_19] : memref<1x1x512x2048xf32, #tpu.memory_space<vmem>>, vector<1x1x512x2048xf32>
    %swap3A_21 = vector.shape_cast %swap3A_20 : vector<1x1x512x2048xf32> to vector<512x2048xf32>
    %swap3A_22 = vector.shape_cast %select_n3A_16 : vector<512x2048xf32> to vector<1x1x512x2048xf32>
    tpu.vector_store %arg3[%swap3A, %swap3A_17, %swap3A_18, %swap3A_19], %swap3A_22 {strides = array<i32>} : memref<1x1x512x2048xf32, #tpu.memory_space<vmem>>, vector<1x1x512x2048xf32>,
    return
  }
  func.func @transform_0(%arg0: i32, %arg1: i32) -> (i32, i32, i32) {
    %c0_i32 = arith.constant 0 : i32
    %c0_i32_0 = arith.constant 0 : i32
    %c0_i32_1 = arith.constant 0 : i32
    return %arg0, %c0_i32, %c0_i32_0 : i32, i32, i32
  }
  func.func @transform_1(%arg0: i32, %arg1: i32) -> (i32, i32, i32, i32) {
    %c0_i32 = arith.constant 0 : i32
    %c0_i32_0 = arith.constant 0 : i32
    %c0_i32_1 = arith.constant 0 : i32
    return %arg0, %c0_i32, %arg1, %c0_i32_0 : i32, i32, i32, i32
  }
}

</mosaic_0001>

<sc_bundles>
// kernel: kernel.4.cloned.1.call-start
scs
__scs_entry_jumppad:
0x0: {  	(pc) =	sbr.rel $0x88, $3  }
0x1: {  	(tag) =	ssettag $0x0;
	lr =	simm.s32 $0x1  }
0x2: {  	[smem:$0x3F9C] =	sst lr;
	_ =	strace $0xD0000000  }
0x3: {  	_ = 	snop  }
0x4: {  	_ = 	snop  }
0x5: {  	_ = 	snop  }
0x6: {  	_ = 	snop  }
0x7: {  	_ = 	snop  }
__scs_overlays_trampoline_lowered:
0x8: {  	[smem:$0x3FAB] =	sst s0  }
0x9: {  	[smem:$0x3FAC] =	sst s1  }
0xa: {  	[smem:$0x3FAD] =	sst s2  }
0xb: {  	[smem:$0x3FAE] =	sst s3  }
0xc: {  	[smem:$0x3FAF] =	sst s4  }
0xd: {  	[smem:$0x3FB0] =	sst s5  }
0xe: {  	[smem:$0x3FB1] =	sst s6  }
0xf: {  	[smem:$0x3FB2] =	sst s7  }
0x10: {  	[smem:$0x3FB3] =	sst s8  }
0x11: {  	[smem:$0x3FB4] =	sst s9;
	s0 =	simm.s32 @!p0 $0x0  }
0x12: {  	s1 =	sld [smem:$0x3F9A];
	s0 =	simm.s32 @p0 $0x1  }
0x13: {  	[smem:$0x3FB5] =	sst s0;
	s0 =	simm.s32 @!p1 $0x0  }
0x14: {  	s2 =	sld [smem:$0x3F99];
	s0 =	simm.s32 @p1 $0x1  }
0x15: {  	[smem:$0x3FB6] =	sst s0;
	s0 =	simm.s32 @!p2 $0x0  }
0x16: {  	s3 =	sld [smem:$0x3FDB];
	s0 =	simm.s32 @p2 $0x1  }
0x17: {  	s4 =	simm.s32 $0x1BF5;
	[smem:$0x3FB8] =	sst s0  }
0x18: {  	s0 =	sld [smem:$0x3F9B];
	_ =	swait.ge [sflag:s4], $0x0  }
0x19: {  	s7 =	sld [smem:$0x3F9C]  }
0x1a: {  	s8 =	sadd.s32 $0xFFFFE003, lr  }
0x1b: {  	s9 =	sadd.s32 $0xFFFFFEF7, lr;
	s5 =	simm.s32 $0xFFFFFFFF;
	p2 =	slt.u32 s8, $0xFFFFF086  }
0x1c: {  	p1 =	slt.u32 s9, $0xF7A;
	s5 =	simm.s32 @!p2 $0x0  }
0x1d: {  	s5 =	simm.s32 @p1 $0x1;
	p0 =	seq.s32 s7, s2  }
0x1e: {  	s7 =	smul.u32 @!p0 $0xF7A, s2;
	p2 =	seq.s32 @!p0 s5, $0x0  }
0x1f: {  	s9 =	smul.u32 $0xF7A, s1;
	s8 =	simm.s32 @!p0 $0x1BF5;
	p2 =	por !p2, p0  }
0x20: {  	[sflag:s8] =	ssyncset.s32 @!p0 $0xFFFFF086;
	s6 =	sadd.s32 @!p0 s3, s7;
	s7 =	simm.s32 @!p0 $0x108  }
0x21: {  	s3 =	sadd.s32 s3, s9;
	s6 =	sadd.s32 @!p0 $0x88, s6;
	s7 =	simm.s32 @p2 $0x1082  }
0x22: {  	[simem:s7], [sflag:s8] =	dma.local @!p0 [hbm:s6], $0xF7A  }
0x23: {  	s9 =	sor.u32 $0xD0000000, s2;
	s6 =	simm.s32 $0x108;
	_ =	swait.ge @!p0 [sflag:s8], $0x0  }
0x24: {  	s3 =	sadd.s32 $0x88, s3;
	s6 =	simm.s32 @!p1 $0x1082;
	[sflag:s4] =	ssyncset.s32 $0xFFFFF086  }
0x25: {  	[simem:s6], [sflag:s4] =	dma.local [hbm:s3], $0xF7A  }
0x26: {  	[smem:$0x3F9C] =	sst s1;
	(tag) =	ssettag s2;
	_ =	strace s9  }
0x27: {  	s1 =	sld [smem:$0x3FAC]  }
0x28: {  	s2 =	sld [smem:$0x3FAD]  }
0x29: {  	s4 =	sld [smem:$0x3FAF]  }
0x2a: {  	p0 =	seq.s32 s5, $0x0;
	s5 =	sld [smem:$0x3FB0]  }
0x2b: {  	s6 =	sld [smem:$0x3FB1]  }
0x2c: {  	s7 =	sld [smem:$0x3FB2]  }
0x2d: {  	s3 =	simm.s32 $0x108;
	s8 =	sld [smem:$0x3FB3]  }
0x2e: {  	s3 =	simm.s32 @!p0 $0x1082;
	s9 =	sld [smem:$0x3FB4]  }
0x2f: {  	lr =	sadd.s32 s0, s3;
	s0 =	sld [smem:$0x3FAB]  }
0x30: {  	s3 =	sld [smem:$0x3FAE]  }
0x31: {  	[smem:$0x3FB7] =	sst s10  }
0x32: {  	s10 =	sld [smem:$0x3FB5];
	_ =	sdelay $0x3  }
0x33: {  	p0 =	seq.s32 s10, $0x1;
	s10 =	sld [smem:$0x3FB7];
	_ =	sdelay $0x3  }
0x34: {  	[smem:$0x3FB7] =	sst s10  }
0x35: {  	s10 =	sld [smem:$0x3FB6];
	_ =	sdelay $0x3  }
0x36: {  	p1 =	seq.s32 s10, $0x1;
	s10 =	sld [smem:$0x3FB7];
	_ =	sdelay $0x3  }
0x37: {  	[smem:$0x3FB7] =	sst s10  }
0x38: {  	s10 =	sld [smem:$0x3FB8]  }
0x39: {  	_ = 	snop;
	(pc) =	sbr.ind lr, $3  }
0x3a: {  	_ = 	snop  }
0x3b: {  	_ = 	snop  }
0x3c: {  	p2 =	seq.s32 s10, $0x1;
	s10 =	sld [smem:$0x3FB7]  }
0x3d: {  	_ =	shalt  }
0x3e: {  	_ =	shalt  }
0x3f: {  	_ =	shalt  }
0x40: {  	_ =	shalt  }
0x41: {  	_ =	shalt  }
0x42: {  	_ =	shalt  }
0x43: {  	_ =	shalt  }
0x44: {  	_ =	shalt  }
0x45: {  	_ =	shalt  }
0x46: {  	_ =	shalt  }
0x47: {  	_ =	shalt  }
0x48: {  	_ =	shalt  }
0x49: {  	_ =	shalt  }
0x4a: {  	_ =	shalt  }
0x4b: {  	_ =	shalt  }
0x4c: {  	_ =	shalt  }
0x4d: {  	_ =	shalt  }
0x4e: {  	_ =	shalt  }
0x4f: {  	_ =	shalt  }
0x50: {  	_ =	shalt  }
0x51: {  	_ =	shalt  }
0x52: {  	_ =	shalt  }
0x53: {  	_ =	shalt  }
0x54: {  	_ =	shalt  }
0x55: {  	_ =	shalt  }
0x56: {  	_ =	shalt  }
0x57: {  	_ =	shalt  }
0x58: {  	_ =	shalt  }
0x59: {  	_ =	shalt  }
0x5a: {  	_ =	shalt  }
0x5b: {  	_ =	shalt  }
0x5c: {  	_ =	shalt  }
0x5d: {  	_ =	shalt  }
0x5e: {  	_ =	shalt  }
0x5f: {  	_ =	shalt  }
0x60: {  	_ =	shalt  }
0x61: {  	_ =	shalt  }
0x62: {  	_ =	shalt  }
0x63: {  	_ =	shalt  }
0x64: {  	_ =	shalt  }
0x65: {  	_ =	shalt  }
0x66: {  	_ =	shalt  }
0x67: {  	_ =	shalt  }
0x68: {  	_ =	shalt  }
0x69: {  	_ =	shalt  }
0x6a: {  	_ =	shalt  }
0x6b: {  	_ =	shalt  }
0x6c: {  	_ =	shalt  }
0x6d: {  	_ =	shalt  }
0x6e: {  	_ =	shalt  }
0x6f: {  	_ =	shalt  }
0x70: {  	_ =	shalt  }
0x71: {  	_ =	shalt  }
0x72: {  	_ =	shalt  }
0x73: {  	_ =	shalt  }
0x74: {  	_ =	shalt  }
0x75: {  	_ =	shalt  }
0x76: {  	_ =	shalt  }
0x77: {  	_ =	shalt  }
0x78: {  	_ =	shalt  }
0x79: {  	_ =	shalt  }
0x7a: {  	_ =	shalt  }
0x7b: {  	_ =	shalt  }
0x7c: {  	_ =	shalt  }
0x7d: {  	_ =	shalt  }
0x7e: {  	_ =	shalt  }
0x7f: {  	_ =	shalt  }
0x80: {  	_ =	shalt  }
0x81: {  	_ =	shalt  }
0x82: {  	_ =	shalt  }
0x83: {  	_ =	shalt  }
0x84: {  	_ =	shalt  }
0x85: {  	_ =	shalt  }
0x86: {  	_ =	shalt  }
0x87: {  	_ =	shalt  }
.Lfunc_end0:
.L_simem_size_0:
called_computation_lowered:
.L_overlay_start_0:
0x88: {  	s2 =	sld [smem:$0x3FD9]  }
0x89: {  	s3 =	sld [smem:$0x3FFE];
	_ =	sdelay $0x1  }
0x8a: {  	s1 =	srdreg.scid  }
0x8b: {  	s0 =	sand.u32 $0x1, s1  }
0x8c: {  	s14 =	sshll.u32 s0, $0xA;
	s2 =	sadd.s32 s3, s2  }
0x8d: {  	s2 =	sadd.s32 s2, s14  }
0x8e: {  	[smem:$0x3FC3] =	sst s2  }
0x8f: {  	_ = 	snop  }
0x90: {  	s2 =	sld [smem:$0x3FD0];
	_ =	sdelay $0x2  }
0x91: {  	s4 =	simm.s32 $0xA;
	s5 =	simm.s32 $0x10;
	s15 =	sld [smem:$0x3FC5]  }
0x92: {  	[smem:s5], [sflag:s4] =	dma.local [hbm:s2], $0x1  }
0x93: {  	_ =	swait.eq [sflag:s4], $0x1  }
0x94: {  	[sflag:s4] =	ssyncset.done $0x0  }
0x95: {  	[sflag:s4] =	ssyncadd.s32 $0xFFFFFFFF  }
0x96: {  	s16 =	sld [smem:$0x10];
	(tm) =	ssettm $0x1  }
0x97: {  	s17 =	sld [smem:$0x3FFB];
	_ =	sdelay $0x3  }
0x98: {  	_ =	strace s17  }
0x99: {  	s4 =	sld [smem:$0x3FFC];
	_ =	sdelay $0x3  }
0x9a: {  	_ =	strace s4  }
0x9b: {  	s4 =	sld [smem:$0x3FFD];
	_ =	sdelay $0x3  }
0x9c: {  	_ =	strace s4  }
0x9d: {  	_ =	strace $0x8FFFFFFF  }
0x9e: {  	s18 =	sld [smem:$0x3FDB];
	_ =	sdelay $0x1  }
0x9f: {  	s19 =	simm.s32 $_scs_section_size  }
0xa0: {  	s6 =	simm.s32 $_size__tile_overlayer_lowered;
	s7 =	simm.s32 $_tile_overlayer_lowered  }
0xa1: {  	s22 =	simm.s32 $0x1BFF;
	s21 =	sshll.u32 s7, $0x1;
	s4 =	sadd.s32 s19, s18  }
0xa2: {  	s8 =	simm.s32 $0x0;
	s20 =	sshll.u32 s6, $0x1;
	s6 =	sadd.s32 s21, s4  }
0xa3: {  	[timem:s8], [sflag:s22] =	dma.local [hbm:s6], s20  }
0xa4: {  	_ =	swait.ge [sflag:s22], s20  }
0xa5: {  	s5 =	ssub.s32 $0x0, s20;
	[sflag:s22] =	ssyncset.done $0x0  }
0xa6: {  	[sflag:s22] =	ssyncadd.s32 s5;
	_ =	sdelay $0x1  }
0xa7: {  	s23 =	simm.s32 $0x1B8B  }
0xa8: {  	_ =	swait.ge [sflag:s23], $0x1  }
0xa9: {  	[sflag:s23] =	ssyncset.done $0x0  }
0xaa: {  	s25 =	simm.s32 $0x1B8E;
	s24 =	sld [smem:$0x3FFE];
	[sflag:s23] =	ssyncadd.s32 $0xFFFFFFFF  }
0xab: {  	s26 =	simm.s32 $execute0_lowered;
	[smem:$0x3FD2] =	sst s25  }
0xac: {  	s6 =	sshll.u32 s26, $0x1;
	_ =	strace $0x80000046;
	[dreg:$0x1] =	wrdreg $0xFFFFFFFF  }
0xad: {  	s28 =	simm.s32 $_size_execute0_lowered;
	s4 =	sadd.s32 s4, s6;
	[dreg:$0x0] =	wrdreg $0x0  }
0xae: {  	s6 =	sshll.u32 s28, $0x1;
	[dreg:$0x2] =	wrdreg s4  }
0xaf: {  	[dreg:$0x3] =	wrdreg s6  }
0xb0: {  	[dreg:$0x4] =	wrdreg $0xC0  }
0xb1: {  	_ =	task [dreg:s8], $0x5FFFF  }
0xb2: {  	[dreg:$0x1] =	wrdreg $0xFFFFFFFF  }
0xb3: {  	[dreg:$0x0] =	wrdreg $0x60  }
0xb4: {  	[dreg:$0x2] =	wrdreg s24  }
0xb5: {  	[dreg:$0x3] =	wrdreg s15  }
0xb6: {  	[dreg:$0x4] =	wrdreg s16  }
0xb7: {  	[dreg:$0x5] =	wrdreg $0x9  }
0xb8: {  	_ =	task.clear_ibuf [dreg:s8], $0x6FFFF;
	_ =	strace $0x90000046  }
0xb9: {  	s29 =	simm.s32 $0x9;
	_ =	strace $0x80000048  }
0xba: {  	_ =	swait.ge [sflag:s29], $0x1  }
0xbb: {  	[sflag:s29] =	ssyncadd.s32 $0xFFFFFFFF  }
0xbc: {  	_ =	strace $0x90000048  }
0xbd: {  	_ =	sfence  }
0xbe: {  	s30 =	sld [smem:$0x0];
	_ =	sdelay $0x2  }
0xbf: {  	s31 =	sshll.u32 s1, $0xD;
	s1 =	sshrl.u32 s1, $0x2  }
0xc0: {  	s3 =	sand.u32 $0x4000, s31;
	s1 =	sadd.s32 s1, s30  }
0xc1: {  	s0 =	sor.u32 s3, s0;
	s1 =	sshll.u32 s1, $0x11  }
0xc2: {  	s0 =	sor.u32 s1, s0  }
0xc3: {  	s0 =	sadd.s32 $0x8F2B, s0  }
0xc4: {  	[sflag:s0] =	ssyncadd.remote.s32 $0x1  }
0xc5: {  	_ =	sfence.sel $0xFFFF  }
0xc6: {  	[dreg:$0x0] =	wrdreg $0xFFFFFFFF;
	(pc) =	sbr.abs _section_cstart, $3  }
0xc7: {  	[dreg:$0x1] =	wrdreg $0xFFFFFFFF  }
0xc8: {  	_ =	task.clear_ibuf [dreg:s8], $0x2FFFF;
	_ =	strace $0x9FFFFFFF  }
0xc9: {  	(tm) =	ssettm $0x7FFFFFFF  }
tec
execute0_lowered:
.L_overlay_start_1:
0x0: {  	(tag) =	ssettag $0x1  }
0x1: {  	s0 =	rddreg [dreg:$0x0];
	s1 =	srdreg.scid  }
0x2: {  	s3 =	stileid.u32;
	s2 =	rddreg [dreg:$0x1]  }
0x3: {  	s4 =	rddreg [dreg:$0x2];
	s29 =	simm.s32 $0x80;
	s19 =	simm.s32 $0x1  }
0x4: {  	s9 =	simm.s32 $0x11C00;
	s11 =	simm.s32 $0x12400;
	s12 =	simm.s32 $0x12C00  }
0x5: {  	s13 =	simm.s32 $0x13400;
	s14 =	simm.s32 $0x13C00;
	s15 =	simm.s32 $0x14400  }
0x6: {  	s16 =	simm.s32 $0x14C00;
	s1 =	sand.u32 $0x1, s1;
	s3 =	sshll.u32 s3, $0x1  }
0x7: {  	s17 =	simm.s32 $0x15400;
	s18 =	simm.s32 $0x15C00;
	s5 =	sor.u32 s1, s3  }
0x8: {  	s31 =	simm.s32 $0x17400;
	s3 =	simm.s32 $0x0;
	s6 =	sshll.u32 s5, $0x7  }
0x9: {  	[smem:$0x7FF] =	sst s3;
	s5 =	sshll.u32 s5, $0xF;
	s0 =	sadd.s32 s6, s0  }
0xa: {  	_ =	strace $0x80000047;
	s7 =	sadd.s32 s4, s5;
	[dreg:$0xd] =	wrdreg s29  }
0xb: {  	s30 =	simm.s32 $0x17C00;
	s6 =	sadd.s32 $0xA00, s0;
	[dreg:$0xe] =	wrdreg s7  }
0xc: {  	s1 =	ssub.s32 $0x2, s1;
	s0 =	sadd.s32 $0xA10, s0;
	[dreg:$0x4] =	wrdreg s6  }
0xd: {  	s23 =	sshrl.u32 s1, $0x1;
	s20 =	sadd.s32 $0x1000, s7;
	[dreg:$0x5] =	wrdreg s0  }
0xe: {  	s1 =	ssub.s32 s1, s23;
	s21 =	sadd.s32 $0x2000, s7;
	[dreg:$0x6] =	wrdreg s20  }
0xf: {  	s5 =	sadd.s32 $0x100, s2;
	s22 =	sadd.s32 $0x3000, s7;
	[dreg:$0x7] =	wrdreg s21  }
0x10: {  	s23 =	simm.s32 $0x16C00;
	s24 =	sadd.s32 $0x4000, s7;
	[dreg:$0x8] =	wrdreg s22  }
0x11: {  	s25 =	sadd.s32 $0x5000, s7;
	s26 =	sadd.s32 $0x6000, s7;
	[dreg:$0x9] =	wrdreg s24  }
0x12: {  	s28 =	sadd.s32 $0x7000, s7;
	s7 =	sadd.s32 $0x300, s2;
	[dreg:$0xa] =	wrdreg s25  }
0x13: {  	v2 =	vlaneseq.u32;
	s8 =	smax.u32 s1, $0x1;
	s6 =	sadd.s32 $0x200, s2;
	[dreg:$0xb] =	wrdreg s26  }
0x14: {  	vm0 =	vmmov $0xffff;
	v1 =	vshrl.u32 v2, $0x3;
	[dreg:$0xc] =	wrdreg s28;
	s21 =	simm.s32 $0x2;
	s22 =	simm.s32 $0x4  }
0x15: {  	v0 =	vand.u32 $0x7, v2;
	v2 =	vor.u32 $0x8, v2;
	v1 =	vmul.u32 $0x8, v1;
	s24 =	simm.s32 $0x5;
	s26 =	simm.s32 $0x400;
	s20 =	simm.s32 $0x16400  }
.LBB2_1:
0x16: {  	s28 =	rddreg [dreg:$0x4];
	s10 =	simm.s32 $0x7  }
0x17: {  	[tilespmem:s3], [sflag:$0x7] =	stream.linear.gather [hbm4b:s28+s3], $0x80, $0x38;
	[tilespmem:$0x18400] =	vst v63  }
0x18: {  	_ =	swait.ge [sflag:s10], $0x80  }
0x19: {  	[sflag:s10] =	ssyncset.done $0x0  }
0x1a: {  	[sflag:s10] =	ssyncadd.s32 $0xFFFFFF80  }
0x1b: {  	v3 =	vld [tilespmem:$0x0];
	_ =	sdelay $0x4  }
0x1c: {  	v4 =	vshll.u32 v3, $0x3  }
0x1d: {  	v3 =	vand.u32 $0x7, v3;
	v4 =	vand.u32 $0xFFFFFFC0, v4  }
0x1e: {  	v3 =	vor.u32 v3, v4  }
0x1f: {  	v4 =	vperm.xlane v3, v0;
	_ =	sdelay $0x1  }
0x20: {  	v4 =	vadd.s32 v1, v4;
	_ =	sdelay $0x4  }
0x21: {  	[tilespmem:s26], [sflag:$0x1] =	stream.indirect_vreg.gather [hbm4b:s2+s3], $0x80, v4, vm0, $0xb8;
	[tilespmem:$0x18400] =	vst v63  }
0x22: {  	s0 =	simm.s32 $0xC00;
	v3 =	vperm.xlane v3, v2  }
0x23: {  	[tilespmem:s0], [sflag:$0x1] =	stream.indirect_vreg.gather [hbm4b:s5+s3], $0x80, v4, vm0, $0xb8;
	[tilespmem:$0x18400] =	vst v63  }
0x24: {  	s28 =	simm.s32 $0x1400;
	v3 =	vadd.s32 v1, v3  }
0x25: {  	[tilespmem:s28], [sflag:$0x1] =	stream.indirect_vreg.gather [hbm4b:s6+s3], $0x80, v4, vm0, $0xb8;
	[tilespmem:$0x18400] =	vst v63  }
0x26: {  	s29 =	simm.s32 $0x1C00  }
0x27: {  	[tilespmem:s29], [sflag:$0x1] =	stream.indirect_vreg.gather [hbm4b:s7+s3], $0x80, v4, vm0, $0xb8;
	[tilespmem:$0x18400] =	vst v63  }
0x28: {  	s1 =	simm.s32 $0x2400  }
0x29: {  	[tilespmem:s1], [sflag:$0x1] =	stream.indirect_vreg.gather [hbm4b:s2+s3], $0x80, v3, vm0, $0xb8;
	[tilespmem:$0x18400] =	vst v63  }
0x2a: {  	s4 =	simm.s32 $0x2C00  }
0x2b: {  	[tilespmem:s4], [sflag:$0x1] =	stream.indirect_vreg.gather [hbm4b:s5+s3], $0x80, v3, vm0, $0xb8;
	[tilespmem:$0x18400] =	vst v63  }
0x2c: {  	s25 =	simm.s32 $0x3400  }
0x2d: {  	[tilespmem:s25], [sflag:$0x1] =	stream.indirect_vreg.gather [hbm4b:s6+s3], $0x80, v3, vm0, $0xb8;
	[tilespmem:$0x18400] =	vst v63  }
0x2e: {  	s28 =	simm.s32 $0x3C00  }
0x2f: {  	[tilespmem:s28], [sflag:$0x1] =	stream.indirect_vreg.gather [hbm4b:s7+s3], $0x80, v3, vm0, $0xb8;
	[tilespmem:$0x18400] =	vst v63  }
0x30: {  	v3 =	vld [tilespmem:$0x10];
	_ =	sdelay $0x4  }
0x31: {  	v49 =	vshll.u32 v3, $0x3  }
0x32: {  	v3 =	vand.u32 $0x7, v3;
	v4 =	vand.u32 $0xFFFFFFC0, v49  }
0x33: {  	v3 =	vor.u32 v3, v4  }
0x34: {  	v4 =	vperm.xlane v3, v0;
	_ =	sdelay $0x1  }
0x35: {  	v4 =	vadd.s32 v1, v4;
	_ =	sdelay $0x3  }
0x36: {  	s29 =	simm.s32 $0x4400  }
0x37: {  	[tilespmem:s29], [sflag:$0x1] =	stream.indirect_vreg.gather [hbm4b:s2+s3], $0x80, v4, vm0, $0xb8;
	[tilespmem:$0x18400] =	vst v63  }
0x38: {  	s1 =	simm.s32 $0x4C00;
	v3 =	vperm.xlane v3, v2  }
0x39: {  	[tilespmem:s1], [sflag:$0x1] =	stream.indirect_vreg.gather [hbm4b:s5+s3], $0x80, v4, vm0, $0xb8;
	[tilespmem:$0x18400] =	vst v63  }
0x3a: {  	s4 =	simm.s32 $0x5400;
	v3 =	vadd.s32 v1, v3  }
0x3b: {  	[tilespmem:s4], [sflag:$0x1] =	stream.indirect_vreg.gather [hbm4b:s6+s3], $0x80, v4, vm0, $0xb8;
	[tilespmem:$0x18400] =	vst v63  }
0x3c: {  	s25 =	simm.s32 $0x5C00  }
0x3d: {  	[tilespmem:s25], [sflag:$0x1] =	stream.indirect_vreg.gather [hbm4b:s7+s3], $0x80, v4, vm0, $0xb8;
	[tilespmem:$0x18400] =	vst v63  }
0x3e: {  	s28 =	simm.s32 $0x6400  }
0x3f: {  	[tilespmem:s28], [sflag:$0x1] =	stream.indirect_vreg.gather [hbm4b:s2+s3], $0x80, v3, vm0, $0xb8;
	[tilespmem:$0x18400] =	vst v63  }
0x40: {  	s29 =	simm.s32 $0x6C00  }
0x41: {  	[tilespmem:s29], [sflag:$0x1] =	stream.indirect_vreg.gather [hbm4b:s5+s3], $0x80, v3, vm0, $0xb8;
	[tilespmem:$0x18400] =	vst v63  }
0x42: {  	s1 =	simm.s32 $0x7400  }
0x43: {  	[tilespmem:s1], [sflag:$0x1] =	stream.indirect_vreg.gather [hbm4b:s6+s3], $0x80, v3, vm0, $0xb8;
	[tilespmem:$0x18400] =	vst v63  }
0x44: {  	s4 =	rddreg [dreg:$0x5];
	s25 =	simm.s32 $0x7C00  }
0x45: {  	[tilespmem:s25], [sflag:$0x1] =	stream.indirect_vreg.gather [hbm4b:s7+s3], $0x80, v3, vm0, $0xb8;
	[tilespmem:$0x18400] =	vst v63  }
0x46: {  	s29 =	rddreg [dreg:$0xd]  }
0x47: {  	[tilespmem:s29], [sflag:$0x7] =	stream.linear.gather [hbm4b:s4+s3], $0x380, $0x38;
	[tilespmem:$0x18400] =	vst v63  }
0x48: {  	_ =	swait.ge [sflag:s10], $0x380  }
0x49: {  	[sflag:s10] =	ssyncset.done $0x0  }
0x4a: {  	[sflag:s10] =	ssyncadd.s32 $0xFFFFFC80  }
0x4b: {  	v3 =	vld [tilespmem:$0x80];
	_ =	sdelay $0x4  }
0x4c: {  	v50 =	vshll.u32 v3, $0x3  }
0x4d: {  	v3 =	vand.u32 $0x7, v3;
	v4 =	vand.u32 $0xFFFFFFC0, v50  }
0x4e: {  	v3 =	vor.u32 v3, v4  }
0x4f: {  	v4 =	vperm.xlane v3, v0;
	_ =	sdelay $0x1  }
0x50: {  	v4 =	vadd.s32 v1, v4;
	_ =	sdelay $0x3  }
0x51: {  	s10 =	simm.s32 $0x8400  }
0x52: {  	[tilespmem:s10], [sflag:$0x2] =	stream.indirect_vreg.gather [hbm4b:s2+s3], $0x80, v4, vm0, $0xb8;
	[tilespmem:$0x18400] =	vst v63  }
0x53: {  	s1 =	simm.s32 $0x8C00;
	v3 =	vperm.xlane v3, v2  }
0x54: {  	[tilespmem:s1], [sflag:$0x2] =	stream.indirect_vreg.gather [hbm4b:s5+s3], $0x80, v4, vm0, $0xb8;
	[tilespmem:$0x18400] =	vst v63  }
0x55: {  	s4 =	simm.s32 $0x9400;
	v3 =	vadd.s32 v1, v3  }
0x56: {  	[tilespmem:s4], [sflag:$0x2] =	stream.indirect_vreg.gather [hbm4b:s6+s3], $0x80, v4, vm0, $0xb8;
	[tilespmem:$0x18400] =	vst v63  }
0x57: {  	s28 =	simm.s32 $0x9C00  }
0x58: {  	[tilespmem:s28], [sflag:$0x2] =	stream.indirect_vreg.gather [hbm4b:s7+s3], $0x80, v4, vm0, $0xb8;
	[tilespmem:$0x18400] =	vst v63  }
0x59: {  	s29 =	simm.s32 $0xA400  }
0x5a: {  	[tilespmem:s29], [sflag:$0x2] =	stream.indirect_vreg.gather [hbm4b:s2+s3], $0x80, v3, vm0, $0xb8;
	[tilespmem:$0x18400] =	vst v63  }
0x5b: {  	s1 =	simm.s32 $0xAC00  }
0x5c: {  	[tilespmem:s1], [sflag:$0x2] =	stream.indirect_vreg.gather [hbm4b:s5+s3], $0x80, v3, vm0, $0xb8;
	[tilespmem:$0x18400] =	vst v63  }
0x5d: {  	s4 =	simm.s32 $0xB400  }
0x5e: {  	[tilespmem:s4], [sflag:$0x2] =	stream.indirect_vreg.gather [hbm4b:s6+s3], $0x80, v3, vm0, $0xb8;
	[tilespmem:$0x18400] =	vst v63  }
0x5f: {  	s28 =	simm.s32 $0xBC00  }
0x60: {  	[tilespmem:s28], [sflag:$0x2] =	stream.indirect_vreg.gather [hbm4b:s7+s3], $0x80, v3, vm0, $0xb8;
	[tilespmem:$0x18400] =	vst v63  }
0x61: {  	v3 =	vld [tilespmem:$0x90];
	_ =	sdelay $0x4  }
0x62: {  	v51 =	vshll.u32 v3, $0x3  }
0x63: {  	v3 =	vand.u32 $0x7, v3;
	v4 =	vand.u32 $0xFFFFFFC0, v51  }
0x64: {  	v3 =	vor.u32 v3, v4  }
0x65: {  	v4 =	vperm.xlane v3, v0;
	_ =	sdelay $0x1  }
0x66: {  	v4 =	vadd.s32 v1, v4;
	_ =	sdelay $0x3  }
0x67: {  	s29 =	simm.s32 $0xC400  }
0x68: {  	[tilespmem:s29], [sflag:$0x2] =	stream.indirect_vreg.gather [hbm4b:s2+s3], $0x80, v4, vm0, $0xb8;
	[tilespmem:$0x18400] =	vst v63  }
0x69: {  	s1 =	simm.s32 $0xCC00;
	v3 =	vperm.xlane v3, v2  }
0x6a: {  	[tilespmem:s1], [sflag:$0x2] =	stream.indirect_vreg.gather [hbm4b:s5+s3], $0x80, v4, vm0, $0xb8;
	[tilespmem:$0x18400] =	vst v63  }
0x6b: {  	s4 =	simm.s32 $0xD400;
	v3 =	vadd.s32 v1, v3  }
0x6c: {  	[tilespmem:s4], [sflag:$0x2] =	stream.indirect_vreg.gather [hbm4b:s6+s3], $0x80, v4, vm0, $0xb8;
	[tilespmem:$0x18400] =	vst v63  }
0x6d: {  	s28 =	simm.s32 $0xDC00  }
0x6e: {  	[tilespmem:s28], [sflag:$0x2] =	stream.indirect_vreg.gather [hbm4b:s7+s3], $0x80, v4, vm0, $0xb8;
	[tilespmem:$0x18400] =	vst v63  }
0x6f: {  	s29 =	simm.s32 $0xE400  }
0x70: {  	[tilespmem:s29], [sflag:$0x2] =	stream.indirect_vreg.gather [hbm4b:s2+s3], $0x80, v3, vm0, $0xb8;
	[tilespmem:$0x18400] =	vst v63  }
0x71: {  	s1 =	simm.s32 $0xEC00  }
0x72: {  	[tilespmem:s1], [sflag:$0x2] =	stream.indirect_vreg.gather [hbm4b:s5+s3], $0x80, v3, vm0, $0xb8;
	[tilespmem:$0x18400] =	vst v63  }
0x73: {  	s4 =	simm.s32 $0xF400  }
0x74: {  	[tilespmem:s4], [sflag:$0x2] =	stream.indirect_vreg.gather [hbm4b:s6+s3], $0x80, v3, vm0, $0xb8;
	[tilespmem:$0x18400] =	vst v63  }
0x75: {  	s28 =	simm.s32 $0xFC00  }
0x76: {  	[tilespmem:s28], [sflag:$0x2] =	stream.indirect_vreg.gather [hbm4b:s7+s3], $0x80, v3, vm0, $0xb8;
	[tilespmem:$0x18400] =	vst v63  }
0x77: {  	_ =	swait.ge [sflag:s19], $0x8000  }
0x78: {  	[sflag:s19] =	ssyncset.done $0x0  }
0x79: {  	s29 =	rddreg [dreg:$0xe];
	[sflag:s19] =	ssyncadd.s32 $0xFFFF8000  }
0x7a: {  	[hbm4b:s29+s3] =	stream.linear.scatter [tilespmem:s26], [sflag:$0x4], $0x8000, $0x38;
	[tilespmem:$0x18400] =	vst v63  }
0x7b: {  	v3 =	vld [tilespmem:$0x100];
	_ =	sdelay $0x4  }
0x7c: {  	v52 =	vshll.u32 v3, $0x3  }
0x7d: {  	v3 =	vand.u32 $0x7, v3;
	v4 =	vand.u32 $0xFFFFFFC0, v52  }
0x7e: {  	v3 =	vor.u32 v3, v4  }
0x7f: {  	v4 =	vperm.xlane v3, v0;
	_ =	sdelay $0x1  }
0x80: {  	v4 =	vadd.s32 v1, v4;
	_ =	sdelay $0x3  }
0x81: {  	s1 =	simm.s32 $0x10400  }
0x82: {  	[tilespmem:s1], [sflag:$0x3] =	stream.indirect_vreg.gather [hbm4b:s2+s3], $0x80, v4, vm0, $0xb8;
	[tilespmem:$0x18400] =	vst v63  }
0x83: {  	s29 =	simm.s32 $0x10C00;
	v3 =	vperm.xlane v3, v2  }
0x84: {  	[tilespmem:s29], [sflag:$0x3] =	stream.indirect_vreg.gather [hbm4b:s5+s3], $0x80, v4, vm0, $0xb8;
	[tilespmem:$0x18400] =	vst v63  }
0x85: {  	s4 =	simm.s32 $0x11400;
	v3 =	vadd.s32 v1, v3  }
0x86: {  	[tilespmem:s4], [sflag:$0x3] =	stream.indirect_vreg.gather [hbm4b:s6+s3], $0x80, v4, vm0, $0xb8;
	[tilespmem:$0x18400] =	vst v63  }
0x87: {  	_ = 	snop  }
0x88: {  	[tilespmem:s9], [sflag:$0x3] =	stream.indirect_vreg.gather [hbm4b:s7+s3], $0x80, v4, vm0, $0xb8;
	[tilespmem:$0x18400] =	vst v63  }
0x89: {  	_ = 	snop  }
0x8a: {  	[tilespmem:s11], [sflag:$0x3] =	stream.indirect_vreg.gather [hbm4b:s2+s3], $0x80, v3, vm0, $0xb8;
	[tilespmem:$0x18400] =	vst v63  }
0x8b: {  	_ = 	snop  }
0x8c: {  	[tilespmem:s12], [sflag:$0x3] =	stream.indirect_vreg.gather [hbm4b:s5+s3], $0x80, v3, vm0, $0xb8;
	[tilespmem:$0x18400] =	vst v63  }
0x8d: {  	_ = 	snop  }
0x8e: {  	[tilespmem:s13], [sflag:$0x3] =	stream.indirect_vreg.gather [hbm4b:s6+s3], $0x80, v3, vm0, $0xb8;
	[tilespmem:$0x18400] =	vst v63  }
0x8f: {  	_ = 	snop  }
0x90: {  	[tilespmem:s14], [sflag:$0x3] =	stream.indirect_vreg.gather [hbm4b:s7+s3], $0x80, v3, vm0, $0xb8;
	[tilespmem:$0x18400] =	vst v63  }
0x91: {  	v3 =	vld [tilespmem:$0x110];
	_ =	sdelay $0x4  }
0x92: {  	v53 =	vshll.u32 v3, $0x3  }
0x93: {  	v3 =	vand.u32 $0x7, v3;
	v4 =	vand.u32 $0xFFFFFFC0, v53  }
0x94: {  	v3 =	vor.u32 v3, v4  }
0x95: {  	v4 =	vperm.xlane v3, v0;
	_ =	sdelay $0x1  }
0x96: {  	v4 =	vadd.s32 v1, v4;
	_ =	sdelay $0x4  }
0x97: {  	[tilespmem:s15], [sflag:$0x3] =	stream.indirect_vreg.gather [hbm4b:s2+s3], $0x80, v4, vm0, $0xb8;
	[tilespmem:$0x18400] =	vst v63  }
0x98: {  	v3 =	vperm.xlane v3, v2  }
0x99: {  	[tilespmem:s16], [sflag:$0x3] =	stream.indirect_vreg.gather [hbm4b:s5+s3], $0x80, v4, vm0, $0xb8;
	[tilespmem:$0x18400] =	vst v63  }
0x9a: {  	v3 =	vadd.s32 v1, v3  }
0x9b: {  	[tilespmem:s17], [sflag:$0x3] =	stream.indirect_vreg.gather [hbm4b:s6+s3], $0x80, v4, vm0, $0xb8;
	[tilespmem:$0x18400] =	vst v63  }
0x9c: {  	_ = 	snop  }
0x9d: {  	[tilespmem:s18], [sflag:$0x3] =	stream.indirect_vreg.gather [hbm4b:s7+s3], $0x80, v4, vm0, $0xb8;
	[tilespmem:$0x18400] =	vst v63  }
0x9e: {  	_ = 	snop  }
0x9f: {  	[tilespmem:s20], [sflag:$0x3] =	stream.indirect_vreg.gather [hbm4b:s2+s3], $0x80, v3, vm0, $0xb8;
	[tilespmem:$0x18400] =	vst v63  }
0xa0: {  	_ = 	snop  }
0xa1: {  	[tilespmem:s23], [sflag:$0x3] =	stream.indirect_vreg.gather [hbm4b:s5+s3], $0x80, v3, vm0, $0xb8;
	[tilespmem:$0x18400] =	vst v63  }
0xa2: {  	_ = 	snop  }
0xa3: {  	[tilespmem:s31], [sflag:$0x3] =	stream.indirect_vreg.gather [hbm4b:s6+s3], $0x80, v3, vm0, $0xb8;
	[tilespmem:$0x18400] =	vst v63  }
0xa4: {  	_ = 	snop  }
0xa5: {  	[tilespmem:s30], [sflag:$0x3] =	stream.indirect_vreg.gather [hbm4b:s7+s3], $0x80, v3, vm0, $0xb8;
	[tilespmem:$0x18400] =	vst v63  }
0xa6: {  	_ =	swait.ge [sflag:s21], $0x8000  }
0xa7: {  	[sflag:s21] =	ssyncset.done $0x0  }
0xa8: {  	s0 =	rddreg [dreg:$0x6];
	[sflag:s21] =	ssyncadd.s32 $0xFFFF8000  }
0xa9: {  	[hbm4b:s0+s3] =	stream.linear.scatter [tilespmem:s10], [sflag:$0x5], $0x8000, $0x38;
	[tilespmem:$0x18400] =	vst v63  }
0xaa: {  	_ =	swait.ge [sflag:s22], $0x8000  }
0xab: {  	[sflag:s22] =	ssyncset.done $0x0  }
0xac: {  	[sflag:s22] =	ssyncadd.s32 $0xFFFF8000  }
0xad: {  	v3 =	vld [tilespmem:$0x180];
	_ =	sdelay $0x4  }
0xae: {  	v54 =	vshll.u32 v3, $0x3  }
0xaf: {  	v3 =	vand.u32 $0x7, v3;
	v4 =	vand.u32 $0xFFFFFFC0, v54  }
0xb0: {  	v3 =	vor.u32 v3, v4  }
0xb1: {  	v4 =	vperm.xlane v3, v0;
	_ =	sdelay $0x1  }
0xb2: {  	v4 =	vadd.s32 v1, v4;
	_ =	sdelay $0x4  }
0xb3: {  	[tilespmem:s26], [sflag:$0x1] =	stream.indirect_vreg.gather [hbm4b:s2+s3], $0x80, v4, vm0, $0xb8;
	[tilespmem:$0x18400] =	vst v63  }
0xb4: {  	s28 =	simm.s32 $0xC00;
	v3 =	vperm.xlane v3, v2  }
0xb5: {  	[tilespmem:s28], [sflag:$0x1] =	stream.indirect_vreg.gather [hbm4b:s5+s3], $0x80, v4, vm0, $0xb8;
	[tilespmem:$0x18400] =	vst v63  }
0xb6: {  	v3 =	vadd.s32 v1, v3;
	s28 =	simm.s32 $0x1400  }
0xb7: {  	[tilespmem:s28], [sflag:$0x1] =	stream.indirect_vreg.gather [hbm4b:s6+s3], $0x80, v4, vm0, $0xb8;
	[tilespmem:$0x18400] =	vst v63  }
0xb8: {  	s28 =	simm.s32 $0x1C00  }
0xb9: {  	[tilespmem:s28], [sflag:$0x1] =	stream.indirect_vreg.gather [hbm4b:s7+s3], $0x80, v4, vm0, $0xb8;
	[tilespmem:$0x18400] =	vst v63  }
0xba: {  	s28 =	simm.s32 $0x2400  }
0xbb: {  	[tilespmem:s28], [sflag:$0x1] =	stream.indirect_vreg.gather [hbm4b:s2+s3], $0x80, v3, vm0, $0xb8;
	[tilespmem:$0x18400] =	vst v63  }
0xbc: {  	s28 =	simm.s32 $0x2C00  }
0xbd: {  	[tilespmem:s28], [sflag:$0x1] =	stream.indirect_vreg.gather [hbm4b:s5+s3], $0x80, v3, vm0, $0xb8;
	[tilespmem:$0x18400] =	vst v63  }
0xbe: {  	s28 =	simm.s32 $0x3400  }
0xbf: {  	[tilespmem:s28], [sflag:$0x1] =	stream.indirect_vreg.gather [hbm4b:s6+s3], $0x80, v3, vm0, $0xb8;
	[tilespmem:$0x18400] =	vst v63  }
0xc0: {  	s28 =	simm.s32 $0x3C00  }
0xc1: {  	[tilespmem:s28], [sflag:$0x1] =	stream.indirect_vreg.gather [hbm4b:s7+s3], $0x80, v3, vm0, $0xb8;
	[tilespmem:$0x18400] =	vst v63  }
0xc2: {  	v3 =	vld [tilespmem:$0x190];
	_ =	sdelay $0x4  }
0xc3: {  	v55 =	vshll.u32 v3, $0x3  }
0xc4: {  	v3 =	vand.u32 $0x7, v3;
	v4 =	vand.u32 $0xFFFFFFC0, v55  }
0xc5: {  	v3 =	vor.u32 v3, v4  }
0xc6: {  	v4 =	vperm.xlane v3, v0;
	_ =	sdelay $0x1  }
0xc7: {  	v4 =	vadd.s32 v1, v4;
	_ =	sdelay $0x3  }
0xc8: {  	s28 =	simm.s32 $0x4400  }
0xc9: {  	[tilespmem:s28], [sflag:$0x1] =	stream.indirect_vreg.gather [hbm4b:s2+s3], $0x80, v4, vm0, $0xb8;
	[tilespmem:$0x18400] =	vst v63  }
0xca: {  	v3 =	vperm.xlane v3, v2;
	s28 =	simm.s32 $0x4C00  }
0xcb: {  	[tilespmem:s28], [sflag:$0x1] =	stream.indirect_vreg.gather [hbm4b:s5+s3], $0x80, v4, vm0, $0xb8;
	[tilespmem:$0x18400] =	vst v63  }
0xcc: {  	v3 =	vadd.s32 v1, v3;
	s28 =	simm.s32 $0x5400  }
0xcd: {  	[tilespmem:s28], [sflag:$0x1] =	stream.indirect_vreg.gather [hbm4b:s6+s3], $0x80, v4, vm0, $0xb8;
	[tilespmem:$0x18400] =	vst v63  }
0xce: {  	s28 =	simm.s32 $0x5C00  }
0xcf: {  	[tilespmem:s28], [sflag:$0x1] =	stream.indirect_vreg.gather [hbm4b:s7+s3], $0x80, v4, vm0, $0xb8;
	[tilespmem:$0x18400] =	vst v63  }
0xd0: {  	s28 =	simm.s32 $0x6400  }
0xd1: {  	[tilespmem:s28], [sflag:$0x1] =	stream.indirect_vreg.gather [hbm4b:s2+s3], $0x80, v3, vm0, $0xb8;
	[tilespmem:$0x18400] =	vst v63  }
0xd2: {  	s28 =	simm.s32 $0x6C00  }
0xd3: {  	[tilespmem:s28], [sflag:$0x1] =	stream.indirect_vreg.gather [hbm4b:s5+s3], $0x80, v3, vm0, $0xb8;
	[tilespmem:$0x18400] =	vst v63  }
0xd4: {  	s28 =	simm.s32 $0x7400  }
0xd5: {  	[tilespmem:s28], [sflag:$0x1] =	stream.indirect_vreg.gather [hbm4b:s6+s3], $0x80, v3, vm0, $0xb8;
	[tilespmem:$0x18400] =	vst v63  }
0xd6: {  	s25 =	simm.s32 $0x7C00  }
0xd7: {  	[tilespmem:s25], [sflag:$0x1] =	stream.indirect_vreg.gather [hbm4b:s7+s3], $0x80, v3, vm0, $0xb8;
	[tilespmem:$0x18400] =	vst v63  }
0xd8: {  	s25 =	simm.s32 $0x3  }
0xd9: {  	_ =	swait.ge [sflag:s25], $0x8000  }
0xda: {  	[sflag:s25] =	ssyncset.done $0x0  }
0xdb: {  	s0 =	rddreg [dreg:$0x7];
	[sflag:s25] =	ssyncadd.s32 $0xFFFF8000  }
0xdc: {  	[hbm4b:s0+s3] =	stream.linear.scatter [tilespmem:s1], [sflag:$0x6], $0x8000, $0x38;
	[tilespmem:$0x18400] =	vst v63  }
0xdd: {  	_ =	swait.ge [sflag:s24], $0x8000  }
0xde: {  	[sflag:s24] =	ssyncset.done $0x0  }
0xdf: {  	[sflag:s24] =	ssyncadd.s32 $0xFFFF8000  }
0xe0: {  	v3 =	vld [tilespmem:$0x200];
	_ =	sdelay $0x4  }
0xe1: {  	v56 =	vshll.u32 v3, $0x3  }
0xe2: {  	v3 =	vand.u32 $0x7, v3;
	v4 =	vand.u32 $0xFFFFFFC0, v56  }
0xe3: {  	v3 =	vor.u32 v3, v4  }
0xe4: {  	v4 =	vperm.xlane v3, v0;
	_ =	sdelay $0x1  }
0xe5: {  	v4 =	vadd.s32 v1, v4;
	_ =	sdelay $0x4  }
0xe6: {  	[tilespmem:s10], [sflag:$0x2] =	stream.indirect_vreg.gather [hbm4b:s2+s3], $0x80, v4, vm0, $0xb8;
	[tilespmem:$0x18400] =	vst v63  }
0xe7: {  	s28 =	simm.s32 $0x8C00;
	v3 =	vperm.xlane v3, v2  }
0xe8: {  	[tilespmem:s28], [sflag:$0x2] =	stream.indirect_vreg.gather [hbm4b:s5+s3], $0x80, v4, vm0, $0xb8;
	[tilespmem:$0x18400] =	vst v63  }
0xe9: {  	v3 =	vadd.s32 v1, v3;
	s28 =	simm.s32 $0x9400  }
0xea: {  	[tilespmem:s28], [sflag:$0x2] =	stream.indirect_vreg.gather [hbm4b:s6+s3], $0x80, v4, vm0, $0xb8;
	[tilespmem:$0x18400] =	vst v63  }
0xeb: {  	s28 =	simm.s32 $0x9C00  }
0xec: {  	[tilespmem:s28], [sflag:$0x2] =	stream.indirect_vreg.gather [hbm4b:s7+s3], $0x80, v4, vm0, $0xb8;
	[tilespmem:$0x18400] =	vst v63  }
0xed: {  	s28 =	simm.s32 $0xA400  }
0xee: {  	[tilespmem:s28], [sflag:$0x2] =	stream.indirect_vreg.gather [hbm4b:s2+s3], $0x80, v3, vm0, $0xb8;
	[tilespmem:$0x18400] =	vst v63  }
0xef: {  	s28 =	simm.s32 $0xAC00  }
0xf0: {  	[tilespmem:s28], [sflag:$0x2] =	stream.indirect_vreg.gather [hbm4b:s5+s3], $0x80, v3, vm0, $0xb8;
	[tilespmem:$0x18400] =	vst v63  }
0xf1: {  	s28 =	simm.s32 $0xB400  }
0xf2: {  	[tilespmem:s28], [sflag:$0x2] =	stream.indirect_vreg.gather [hbm4b:s6+s3], $0x80, v3, vm0, $0xb8;
	[tilespmem:$0x18400] =	vst v63  }
0xf3: {  	s28 =	simm.s32 $0xBC00  }
0xf4: {  	[tilespmem:s28], [sflag:$0x2] =	stream.indirect_vreg.gather [hbm4b:s7+s3], $0x80, v3, vm0, $0xb8;
	[tilespmem:$0x18400] =	vst v63  }
0xf5: {  	v3 =	vld [tilespmem:$0x210];
	_ =	sdelay $0x4  }
0xf6: {  	v57 =	vshll.u32 v3, $0x3  }
0xf7: {  	v3 =	vand.u32 $0x7, v3;
	v4 =	vand.u32 $0xFFFFFFC0, v57  }
0xf8: {  	v3 =	vor.u32 v3, v4  }
0xf9: {  	v4 =	vperm.xlane v3, v0;
	_ =	sdelay $0x1  }
0xfa: {  	v4 =	vadd.s32 v1, v4;
	_ =	sdelay $0x3  }
0xfb: {  	s28 =	simm.s32 $0xC400  }
0xfc: {  	[tilespmem:s28], [sflag:$0x2] =	stream.indirect_vreg.gather [hbm4b:s2+s3], $0x80, v4, vm0, $0xb8;
	[tilespmem:$0x18400] =	vst v63  }
0xfd: {  	v3 =	vperm.xlane v3, v2;
	s28 =	simm.s32 $0xCC00  }
0xfe: {  	[tilespmem:s28], [sflag:$0x2] =	stream.indirect_vreg.gather [hbm4b:s5+s3], $0x80, v4, vm0, $0xb8;
	[tilespmem:$0x18400] =	vst v63  }
0xff: {  	v3 =	vadd.s32 v1, v3;
	s28 =	simm.s32 $0xD400  }
0x100: {  	[tilespmem:s28], [sflag:$0x2] =	stream.indirect_vreg.gather [hbm4b:s6+s3], $0x80, v4, vm0, $0xb8;
	[tilespmem:$0x18400] =	vst v63  }
0x101: {  	s28 =	simm.s32 $0xDC00  }
0x102: {  	[tilespmem:s28], [sflag:$0x2] =	stream.indirect_vreg.gather [hbm4b:s7+s3], $0x80, v4, vm0, $0xb8;
	[tilespmem:$0x18400] =	vst v63  }
0x103: {  	s28 =	simm.s32 $0xE400  }
0x104: {  	[tilespmem:s28], [sflag:$0x2] =	stream.indirect_vreg.gather [hbm4b:s2+s3], $0x80, v3, vm0, $0xb8;
	[tilespmem:$0x18400] =	vst v63  }
0x105: {  	s28 =	simm.s32 $0xEC00  }
0x106: {  	[tilespmem:s28], [sflag:$0x2] =	stream.indirect_vreg.gather [hbm4b:s5+s3], $0x80, v3, vm0, $0xb8;
	[tilespmem:$0x18400] =	vst v63  }
0x107: {  	s28 =	simm.s32 $0xF400  }
0x108: {  	[tilespmem:s28], [sflag:$0x2] =	stream.indirect_vreg.gather [hbm4b:s6+s3], $0x80, v3, vm0, $0xb8;
	[tilespmem:$0x18400] =	vst v63  }
0x109: {  	s28 =	simm.s32 $0xFC00  }
0x10a: {  	[tilespmem:s28], [sflag:$0x2] =	stream.indirect_vreg.gather [hbm4b:s7+s3], $0x80, v3, vm0, $0xb8;
	[tilespmem:$0x18400] =	vst v63  }
0x10b: {  	_ =	swait.ge [sflag:s19], $0x8000  }
0x10c: {  	[sflag:s19] =	ssyncset.done $0x0  }
0x10d: {  	s0 =	rddreg [dreg:$0x8];
	[sflag:s19] =	ssyncadd.s32 $0xFFFF8000  }
0x10e: {  	[hbm4b:s0+s3] =	stream.linear.scatter [tilespmem:s26], [sflag:$0x4], $0x8000, $0x38;
	[tilespmem:$0x18400] =	vst v63  }
0x10f: {  	s0 =	simm.s32 $0x6  }
0x110: {  	_ =	swait.ge [sflag:s0], $0x8000  }
0x111: {  	[sflag:s0] =	ssyncset.done $0x0  }
0x112: {  	[sflag:s0] =	ssyncadd.s32 $0xFFFF8000  }
0x113: {  	v3 =	vld [tilespmem:$0x280];
	_ =	sdelay $0x4  }
0x114: {  	v58 =	vshll.u32 v3, $0x3  }
0x115: {  	v3 =	vand.u32 $0x7, v3;
	v4 =	vand.u32 $0xFFFFFFC0, v58  }
0x116: {  	v3 =	vor.u32 v3, v4  }
0x117: {  	v4 =	vperm.xlane v3, v0;
	_ =	sdelay $0x1  }
0x118: {  	v4 =	vadd.s32 v1, v4;
	_ =	sdelay $0x4  }
0x119: {  	[tilespmem:s1], [sflag:$0x3] =	stream.indirect_vreg.gather [hbm4b:s2+s3], $0x80, v4, vm0, $0xb8;
	[tilespmem:$0x18400] =	vst v63  }
0x11a: {  	v3 =	vperm.xlane v3, v2  }
0x11b: {  	[tilespmem:s29], [sflag:$0x3] =	stream.indirect_vreg.gather [hbm4b:s5+s3], $0x80, v4, vm0, $0xb8;
	[tilespmem:$0x18400] =	vst v63  }
0x11c: {  	v3 =	vadd.s32 v1, v3  }
0x11d: {  	[tilespmem:s4], [sflag:$0x3] =	stream.indirect_vreg.gather [hbm4b:s6+s3], $0x80, v4, vm0, $0xb8;
	[tilespmem:$0x18400] =	vst v63  }
0x11e: {  	_ = 	snop  }
0x11f: {  	[tilespmem:s9], [sflag:$0x3] =	stream.indirect_vreg.gather [hbm4b:s7+s3], $0x80, v4, vm0, $0xb8;
	[tilespmem:$0x18400] =	vst v63  }
0x120: {  	_ = 	snop  }
0x121: {  	[tilespmem:s11], [sflag:$0x3] =	stream.indirect_vreg.gather [hbm4b:s2+s3], $0x80, v3, vm0, $0xb8;
	[tilespmem:$0x18400] =	vst v63  }
0x122: {  	_ = 	snop  }
0x123: {  	[tilespmem:s12], [sflag:$0x3] =	stream.indirect_vreg.gather [hbm4b:s5+s3], $0x80, v3, vm0, $0xb8;
	[tilespmem:$0x18400] =	vst v63  }
0x124: {  	_ = 	snop  }
0x125: {  	[tilespmem:s13], [sflag:$0x3] =	stream.indirect_vreg.gather [hbm4b:s6+s3], $0x80, v3, vm0, $0xb8;
	[tilespmem:$0x18400] =	vst v63  }
0x126: {  	_ = 	snop  }
0x127: {  	[tilespmem:s14], [sflag:$0x3] =	stream.indirect_vreg.gather [hbm4b:s7+s3], $0x80, v3, vm0, $0xb8;
	[tilespmem:$0x18400] =	vst v63  }
0x128: {  	v3 =	vld [tilespmem:$0x290];
	_ =	sdelay $0x4  }
0x129: {  	v59 =	vshll.u32 v3, $0x3  }
0x12a: {  	v3 =	vand.u32 $0x7, v3;
	v4 =	vand.u32 $0xFFFFFFC0, v59  }
0x12b: {  	v3 =	vor.u32 v3, v4  }
0x12c: {  	v4 =	vperm.xlane v3, v0;
	_ =	sdelay $0x1  }
0x12d: {  	v4 =	vadd.s32 v1, v4;
	_ =	sdelay $0x4  }
0x12e: {  	[tilespmem:s15], [sflag:$0x3] =	stream.indirect_vreg.gather [hbm4b:s2+s3], $0x80, v4, vm0, $0xb8;
	[tilespmem:$0x18400] =	vst v63  }
0x12f: {  	v3 =	vperm.xlane v3, v2  }
0x130: {  	[tilespmem:s16], [sflag:$0x3] =	stream.indirect_vreg.gather [hbm4b:s5+s3], $0x80, v4, vm0, $0xb8;
	[tilespmem:$0x18400] =	vst v63  }
0x131: {  	v3 =	vadd.s32 v1, v3  }
0x132: {  	[tilespmem:s17], [sflag:$0x3] =	stream.indirect_vreg.gather [hbm4b:s6+s3], $0x80, v4, vm0, $0xb8;
	[tilespmem:$0x18400] =	vst v63  }
0x133: {  	_ = 	snop  }
0x134: {  	[tilespmem:s18], [sflag:$0x3] =	stream.indirect_vreg.gather [hbm4b:s7+s3], $0x80, v4, vm0, $0xb8;
	[tilespmem:$0x18400] =	vst v63  }
0x135: {  	_ = 	snop  }
0x136: {  	[tilespmem:s20], [sflag:$0x3] =	stream.indirect_vreg.gather [hbm4b:s2+s3], $0x80, v3, vm0, $0xb8;
	[tilespmem:$0x18400] =	vst v63  }
0x137: {  	_ = 	snop  }
0x138: {  	[tilespmem:s23], [sflag:$0x3] =	stream.indirect_vreg.gather [hbm4b:s5+s3], $0x80, v3, vm0, $0xb8;
	[tilespmem:$0x18400] =	vst v63  }
0x139: {  	_ = 	snop  }
0x13a: {  	[tilespmem:s31], [sflag:$0x3] =	stream.indirect_vreg.gather [hbm4b:s6+s3], $0x80, v3, vm0, $0xb8;
	[tilespmem:$0x18400] =	vst v63  }
0x13b: {  	_ = 	snop  }
0x13c: {  	[tilespmem:s30], [sflag:$0x3] =	stream.indirect_vreg.gather [hbm4b:s7+s3], $0x80, v3, vm0, $0xb8;
	[tilespmem:$0x18400] =	vst v63  }
0x13d: {  	_ =	swait.ge [sflag:s21], $0x8000  }
0x13e: {  	[sflag:s21] =	ssyncset.done $0x0  }
0x13f: {  	s4 =	rddreg [dreg:$0x9];
	[sflag:s21] =	ssyncadd.s32 $0xFFFF8000  }
0x140: {  	[hbm4b:s4+s3] =	stream.linear.scatter [tilespmem:s10], [sflag:$0x5], $0x8000, $0x38;
	[tilespmem:$0x18400] =	vst v63  }
0x141: {  	_ =	swait.ge [sflag:s22], $0x8000  }
0x142: {  	[sflag:s22] =	ssyncset.done $0x0  }
0x143: {  	[sflag:s22] =	ssyncadd.s32 $0xFFFF8000  }
0x144: {  	v3 =	vld [tilespmem:$0x300];
	_ =	sdelay $0x4  }
0x145: {  	v60 =	vshll.u32 v3, $0x3  }
0x146: {  	v3 =	vand.u32 $0x7, v3;
	v4 =	vand.u32 $0xFFFFFFC0, v60  }
0x147: {  	v3 =	vor.u32 v3, v4  }
0x148: {  	v4 =	vperm.xlane v3, v0;
	_ =	sdelay $0x1  }
0x149: {  	v4 =	vadd.s32 v1, v4;
	_ =	sdelay $0x4  }
0x14a: {  	[tilespmem:s26], [sflag:$0x1] =	stream.indirect_vreg.gather [hbm4b:s2+s3], $0x80, v4, vm0, $0xb8;
	[tilespmem:$0x18400] =	vst v63  }
0x14b: {  	s29 =	simm.s32 $0xC00;
	v3 =	vperm.xlane v3, v2  }
0x14c: {  	[tilespmem:s29], [sflag:$0x1] =	stream.indirect_vreg.gather [hbm4b:s5+s3], $0x80, v4, vm0, $0xb8;
	[tilespmem:$0x18400] =	vst v63  }
0x14d: {  	s28 =	simm.s32 $0x1400;
	v3 =	vadd.s32 v1, v3  }
0x14e: {  	[tilespmem:s28], [sflag:$0x1] =	stream.indirect_vreg.gather [hbm4b:s6+s3], $0x80, v4, vm0, $0xb8;
	[tilespmem:$0x18400] =	vst v63  }
0x14f: {  	s29 =	simm.s32 $0x1C00  }
0x150: {  	[tilespmem:s29], [sflag:$0x1] =	stream.indirect_vreg.gather [hbm4b:s7+s3], $0x80, v4, vm0, $0xb8;
	[tilespmem:$0x18400] =	vst v63  }
0x151: {  	s28 =	simm.s32 $0x2400  }
0x152: {  	[tilespmem:s28], [sflag:$0x1] =	stream.indirect_vreg.gather [hbm4b:s2+s3], $0x80, v3, vm0, $0xb8;
	[tilespmem:$0x18400] =	vst v63  }
0x153: {  	s29 =	simm.s32 $0x2C00  }
0x154: {  	[tilespmem:s29], [sflag:$0x1] =	stream.indirect_vreg.gather [hbm4b:s5+s3], $0x80, v3, vm0, $0xb8;
	[tilespmem:$0x18400] =	vst v63  }
0x155: {  	s28 =	simm.s32 $0x3400  }
0x156: {  	[tilespmem:s28], [sflag:$0x1] =	stream.indirect_vreg.gather [hbm4b:s6+s3], $0x80, v3, vm0, $0xb8;
	[tilespmem:$0x18400] =	vst v63  }
0x157: {  	s29 =	simm.s32 $0x3C00  }
0x158: {  	[tilespmem:s29], [sflag:$0x1] =	stream.indirect_vreg.gather [hbm4b:s7+s3], $0x80, v3, vm0, $0xb8;
	[tilespmem:$0x18400] =	vst v63  }
0x159: {  	v3 =	vld [tilespmem:$0x310];
	_ =	sdelay $0x4  }
0x15a: {  	v61 =	vshll.u32 v3, $0x3  }
0x15b: {  	v3 =	vand.u32 $0x7, v3;
	v4 =	vand.u32 $0xFFFFFFC0, v61  }
0x15c: {  	v3 =	vor.u32 v3, v4  }
0x15d: {  	v4 =	vperm.xlane v3, v0;
	_ =	sdelay $0x1  }
0x15e: {  	v4 =	vadd.s32 v1, v4;
	_ =	sdelay $0x3  }
0x15f: {  	s28 =	simm.s32 $0x4400  }
0x160: {  	[tilespmem:s28], [sflag:$0x1] =	stream.indirect_vreg.gather [hbm4b:s2+s3], $0x80, v4, vm0, $0xb8;
	[tilespmem:$0x18400] =	vst v63  }
0x161: {  	s29 =	simm.s32 $0x4C00;
	v3 =	vperm.xlane v3, v2  }
0x162: {  	[tilespmem:s29], [sflag:$0x1] =	stream.indirect_vreg.gather [hbm4b:s5+s3], $0x80, v4, vm0, $0xb8;
	[tilespmem:$0x18400] =	vst v63  }
0x163: {  	v3 =	vadd.s32 v1, v3;
	s28 =	simm.s32 $0x5400  }
0x164: {  	[tilespmem:s28], [sflag:$0x1] =	stream.indirect_vreg.gather [hbm4b:s6+s3], $0x80, v4, vm0, $0xb8;
	[tilespmem:$0x18400] =	vst v63  }
0x165: {  	s29 =	simm.s32 $0x5C00  }
0x166: {  	[tilespmem:s29], [sflag:$0x1] =	stream.indirect_vreg.gather [hbm4b:s7+s3], $0x80, v4, vm0, $0xb8;
	[tilespmem:$0x18400] =	vst v63  }
0x167: {  	s28 =	simm.s32 $0x6400  }
0x168: {  	[tilespmem:s28], [sflag:$0x1] =	stream.indirect_vreg.gather [hbm4b:s2+s3], $0x80, v3, vm0, $0xb8;
	[tilespmem:$0x18400] =	vst v63  }
0x169: {  	s29 =	simm.s32 $0x6C00  }
0x16a: {  	[tilespmem:s29], [sflag:$0x1] =	stream.indirect_vreg.gather [hbm4b:s5+s3], $0x80, v3, vm0, $0xb8;
	[tilespmem:$0x18400] =	vst v63  }
0x16b: {  	s28 =	simm.s32 $0x7400  }
0x16c: {  	[tilespmem:s28], [sflag:$0x1] =	stream.indirect_vreg.gather [hbm4b:s6+s3], $0x80, v3, vm0, $0xb8;
	[tilespmem:$0x18400] =	vst v63  }
0x16d: {  	s29 =	simm.s32 $0x7C00  }
0x16e: {  	[tilespmem:s29], [sflag:$0x1] =	stream.indirect_vreg.gather [hbm4b:s7+s3], $0x80, v3, vm0, $0xb8;
	[tilespmem:$0x18400] =	vst v63  }
0x16f: {  	_ =	swait.ge [sflag:s25], $0x8000  }
0x170: {  	[sflag:s25] =	ssyncset.done $0x0  }
0x171: {  	s4 =	rddreg [dreg:$0xa];
	[sflag:s25] =	ssyncadd.s32 $0xFFFF8000  }
0x172: {  	[hbm4b:s4+s3] =	stream.linear.scatter [tilespmem:s1], [sflag:$0x6], $0x8000, $0x38;
	[tilespmem:$0x18400] =	vst v63  }
0x173: {  	_ =	swait.ge [sflag:s24], $0x8000  }
0x174: {  	[sflag:s24] =	ssyncset.done $0x0  }
0x175: {  	[sflag:s24] =	ssyncadd.s32 $0xFFFF8000  }
0x176: {  	v3 =	vld [tilespmem:$0x380];
	_ =	sdelay $0x4  }
0x177: {  	v62 =	vshll.u32 v3, $0x3  }
0x178: {  	v3 =	vand.u32 $0x7, v3;
	v4 =	vand.u32 $0xFFFFFFC0, v62  }
0x179: {  	v3 =	vor.u32 v3, v4  }
0x17a: {  	v4 =	vperm.xlane v3, v0;
	_ =	sdelay $0x1  }
0x17b: {  	v4 =	vadd.s32 v1, v4;
	_ =	sdelay $0x4  }
0x17c: {  	[tilespmem:s10], [sflag:$0x2] =	stream.indirect_vreg.gather [hbm4b:s2+s3], $0x80, v4, vm0, $0xb8;
	[tilespmem:$0x18400] =	vst v63  }
0x17d: {  	s28 =	simm.s32 $0x8C00;
	v3 =	vperm.xlane v3, v2  }
0x17e: {  	[tilespmem:s28], [sflag:$0x2] =	stream.indirect_vreg.gather [hbm4b:s5+s3], $0x80, v4, vm0, $0xb8;
	[tilespmem:$0x18400] =	vst v63  }
0x17f: {  	s29 =	simm.s32 $0x9400;
	v3 =	vadd.s32 v1, v3  }
0x180: {  	[tilespmem:s29], [sflag:$0x2] =	stream.indirect_vreg.gather [hbm4b:s6+s3], $0x80, v4, vm0, $0xb8;
	[tilespmem:$0x18400] =	vst v63  }
0x181: {  	s4 =	simm.s32 $0x9C00  }
0x182: {  	[tilespmem:s4], [sflag:$0x2] =	stream.indirect_vreg.gather [hbm4b:s7+s3], $0x80, v4, vm0, $0xb8;
	[tilespmem:$0x18400] =	vst v63  }
0x183: {  	s25 =	simm.s32 $0xA400  }
0x184: {  	[tilespmem:s25], [sflag:$0x2] =	stream.indirect_vreg.gather [hbm4b:s2+s3], $0x80, v3, vm0, $0xb8;
	[tilespmem:$0x18400] =	vst v63  }
0x185: {  	s28 =	simm.s32 $0xAC00  }
0x186: {  	[tilespmem:s28], [sflag:$0x2] =	stream.indirect_vreg.gather [hbm4b:s5+s3], $0x80, v3, vm0, $0xb8;
	[tilespmem:$0x18400] =	vst v63  }
0x187: {  	s29 =	simm.s32 $0xB400  }
0x188: {  	[tilespmem:s29], [sflag:$0x2] =	stream.indirect_vreg.gather [hbm4b:s6+s3], $0x80, v3, vm0, $0xb8;
	[tilespmem:$0x18400] =	vst v63  }
0x189: {  	s4 =	simm.s32 $0xBC00  }
0x18a: {  	[tilespmem:s4], [sflag:$0x2] =	stream.indirect_vreg.gather [hbm4b:s7+s3], $0x80, v3, vm0, $0xb8;
	[tilespmem:$0x18400] =	vst v63  }
0x18b: {  	v3 =	vld [tilespmem:$0x390];
	_ =	sdelay $0x4  }
0x18c: {  	v63 =	vshll.u32 v3, $0x3  }
0x18d: {  	v3 =	vand.u32 $0x7, v3;
	v4 =	vand.u32 $0xFFFFFFC0, v63  }
0x18e: {  	v3 =	vor.u32 v3, v4  }
0x18f: {  	v4 =	vperm.xlane v3, v0;
	_ =	sdelay $0x1  }
0x190: {  	v4 =	vadd.s32 v1, v4;
	_ =	sdelay $0x3  }
0x191: {  	s25 =	simm.s32 $0xC400  }
0x192: {  	[tilespmem:s25], [sflag:$0x2] =	stream.indirect_vreg.gather [hbm4b:s2+s3], $0x80, v4, vm0, $0xb8;
	[tilespmem:$0x18400] =	vst v63  }
0x193: {  	s28 =	simm.s32 $0xCC00;
	v3 =	vperm.xlane v3, v2  }
0x194: {  	[tilespmem:s28], [sflag:$0x2] =	stream.indirect_vreg.gather [hbm4b:s5+s3], $0x80, v4, vm0, $0xb8;
	[tilespmem:$0x18400] =	vst v63  }
0x195: {  	s29 =	simm.s32 $0xD400;
	v3 =	vadd.s32 v1, v3  }
0x196: {  	[tilespmem:s29], [sflag:$0x2] =	stream.indirect_vreg.gather [hbm4b:s6+s3], $0x80, v4, vm0, $0xb8;
	[tilespmem:$0x18400] =	vst v63  }
0x197: {  	s4 =	simm.s32 $0xDC00  }
0x198: {  	[tilespmem:s4], [sflag:$0x2] =	stream.indirect_vreg.gather [hbm4b:s7+s3], $0x80, v4, vm0, $0xb8;
	[tilespmem:$0x18400] =	vst v63  }
0x199: {  	s25 =	simm.s32 $0xE400  }
0x19a: {  	[tilespmem:s25], [sflag:$0x2] =	stream.indirect_vreg.gather [hbm4b:s2+s3], $0x80, v3, vm0, $0xb8;
	[tilespmem:$0x18400] =	vst v63  }
0x19b: {  	s28 =	simm.s32 $0xEC00  }
0x19c: {  	[tilespmem:s28], [sflag:$0x2] =	stream.indirect_vreg.gather [hbm4b:s5+s3], $0x80, v3, vm0, $0xb8;
	[tilespmem:$0x18400] =	vst v63  }
0x19d: {  	s29 =	simm.s32 $0xF400  }
0x19e: {  	[tilespmem:s29], [sflag:$0x2] =	stream.indirect_vreg.gather [hbm4b:s6+s3], $0x80, v3, vm0, $0xb8;
	[tilespmem:$0x18400] =	vst v63  }
0x19f: {  	s4 =	simm.s32 $0xFC00  }
0x1a0: {  	[tilespmem:s4], [sflag:$0x2] =	stream.indirect_vreg.gather [hbm4b:s7+s3], $0x80, v3, vm0, $0xb8;
	[tilespmem:$0x18400] =	vst v63  }
0x1a1: {  	_ =	swait.ge [sflag:s19], $0x8000  }
0x1a2: {  	[sflag:s19] =	ssyncset.done $0x0  }
0x1a3: {  	s25 =	rddreg [dreg:$0xb];
	[sflag:s19] =	ssyncadd.s32 $0xFFFF8000  }
0x1a4: {  	[hbm4b:s25+s3] =	stream.linear.scatter [tilespmem:s26], [sflag:$0x4], $0x8000, $0x38;
	[tilespmem:$0x18400] =	vst v63  }
0x1a5: {  	_ =	swait.ge [sflag:s21], $0x8000  }
0x1a6: {  	[sflag:s21] =	ssyncset.done $0x0  }
0x1a7: {  	s29 =	rddreg [dreg:$0xc];
	[sflag:s21] =	ssyncadd.s32 $0xFFFF8000  }
0x1a8: {  	[hbm4b:s29+s3] =	stream.linear.scatter [tilespmem:s10], [sflag:$0x5], $0x8000, $0x38;
	[tilespmem:$0x18400] =	vst v63  }
0x1a9: {  	_ =	swait.ge [sflag:s22], $0x8000  }
0x1aa: {  	[sflag:s22] =	ssyncset.done $0x0  }
0x1ab: {  	[sflag:s22] =	ssyncadd.s32 $0xFFFF8000  }
0x1ac: {  	p0 =	sne.s32 s8, $0x1;
	_ =	swait.ge [sflag:s24], $0x8000  }
.Ltmp0:
0x1ad: {  	[sflag:s24] =	ssyncset.done $0x0;
	(pc) =	sbr.rel @p0 .LBB2_1-.Ltmp0, $4  }
0x1ae: {  	[sflag:s24] =	ssyncadd.s32 $0xFFFF8000  }
0x1af: {  	_ =	swait.ge [sflag:s0], $0x8000  }
0x1b0: {  	[sflag:s0] =	ssyncset.done $0x0  }
0x1b1: {  	s8 =	sadd.s32 $0xFFFFFFFF, s8;
	[sflag:s0] =	ssyncadd.s32 $0xFFFF8000  }
0x1b2: {  	_ =	sfence.sel $0x180000  }
0x1b3: {  	[bflag:$0x0] =	sbarrier.arrive $0xFFFF  }
0x1b4: {  	_ =	strace $0x90000047  }
0x1b5: {  	s0 =	stileid.u32;
	[bflag:$0x2] =	sbarrier.arrive $0xFFFF  }
0x1b6: {  	p0 =	sne.s32 s0, $0x0;
	s0 =	rddreg [dreg:$0x3]  }
0x1b7: {  	s0 =	sadd.s32 @!p0 $0x100000, s0  }
0x1b8: {  	[sflag:s0] =	ssyncadd.tile.s32 @!p0 $0x1;
	_ =	shalt  }
.Lfunc_end2:
_tile_overlayer_lowered:
.L_overlay_start_2:
0x1b9: {  	(tag) =	ssettag $0x2  }
0x1ba: {  	s0 =	rddreg [dreg:$0x0];
	s2 =	stileid.u32  }
0x1bb: {  	s1 =	rddreg [dreg:$0x1];
	p0 =	sne.s32 s2, $0x0  }
0x1bc: {  	s3 =	rddreg [dreg:$0x2];
	[bflag:$0x3] =	sbarrier.arrive $0xFFFF;
	s2 =	simm.s32 @!p0 $0x1C07  }
0x1bd: {  	[timem:s3], [sflag:s2] =	dma.local @!p0 [hbm:s0], s1  }
0x1be: {  	s0 =	simm.s32 @!p0 $0x7  }
0x1bf: {  	_ =	swait.ge @!p0 [sflag:s0], s1  }
0x1c0: {  	s1 =	ssub.s32 @!p0 $0x0, s1;
	[sflag:s0] =	ssyncset.done @!p0 $0x0  }
0x1c1: {  	[sflag:s0] =	ssyncadd.s32 @!p0 s1  }
0x1c2: {  	[bflag:$0x3] =	sbarrier.arrive $0xFFFF  }
0x1c3: {  	_ =	shalt  }

</sc_bundles>
